<compile_context>
chip_gen: v7x
topology: tpu7x:2x2x1
jax: 0.10.2.dev20260603
libtpu: 0.0.44.dev20260713+nightly
codegen_flags: <defaults>
</compile_context>

<pallas_src>
import functools

import jax
import jax.numpy as jnp
from jax import lax
from jax.experimental import pallas as pl
from jax.experimental.pallas import tpu as pltpu
from jax.experimental.pallas import tpu_sc as plsc

B, C, H, W = 16, 64, 32, 32
K = 1024
BETA = 0.25
T = H * W
N = B * T


IPS = 8


def _argmin_body(z_ref, cb_ref, idx_ref, loss_ref):
    cb = cb_ref[...]
    cbm2 = cb * (-2.0)
    cbsq = jnp.sum(cb * cb, axis=1, keepdims=True)
    iota = jax.lax.broadcasted_iota(jnp.int32, (K, 1), 0).astype(jnp.float32)
    ltot = None
    for j in range(IPS):
        z = z_ref[0, j]
        dotm2 = jax.lax.dot_general(cbm2, z, (((1,), (0,)), ((), ())),
                                    preferred_element_type=jnp.float32)
        zsq = jnp.sum(z * z, axis=0, keepdims=True)
        dt = (zsq + cbsq) + dotm2
        dmin = jnp.min(dt, axis=0, keepdims=True)
        idxf = jnp.min(jnp.where(dt == dmin, iota, float(K)), axis=0)
        idx_ref[0, j, :] = idxf.astype(jnp.int32)
        lj = jnp.sum(dmin, keepdims=True).reshape(1, 1)
        ltot = lj if ltot is None else ltot + lj
    loss_ref[0] = ltot


CP = 128


@functools.cache
def _sc_gather_call():
    info = plsc.get_sparse_core_info()
    nw = info.num_cores * info.num_subcores
    b_per_w = N // nw

    def _sc_gather(idx_hbm, cb_hbm, out_hbm, idx_v, rows_v, sem):
        wid = lax.axis_index("s") * info.num_cores + lax.axis_index("c")
        base = wid * b_per_w
        pltpu.sync_copy(idx_hbm.at[pl.ds(base, b_per_w)], idx_v)
        for i in range(b_per_w // 16):
            sl = pl.ds(i * 16, 16)
            idx_v[sl] = jnp.clip(idx_v[sl], 0, K - 1)
        pltpu.async_copy(cb_hbm.at[idx_v], rows_v, sem).wait()
        pltpu.sync_copy(rows_v, out_hbm.at[pl.ds(base, b_per_w)])

    return pl.kernel(
        _sc_gather,
        mesh=plsc.VectorSubcoreMesh(core_axis_name="c", subcore_axis_name="s"),
        out_type=jax.ShapeDtypeStruct((N, CP), jnp.float32),
        scratch_types=[
            pltpu.VMEM((b_per_w,), jnp.int32),
            pltpu.VMEM((b_per_w, CP), jnp.float32),
            pltpu.SemaphoreType.DMA,
        ],
    )


def kernel(z_e, codebook_weight):
    nb = B // IPS
    z_ct = z_e.reshape(nb, IPS, C, T)
    idx3, losspart = pl.pallas_call(
        _argmin_body,
        grid=(nb,),
        in_specs=[
            pl.BlockSpec((1, IPS, C, T), lambda b: (b, 0, 0, 0)),
            pl.BlockSpec((K, C), lambda b: (0, 0)),
        ],
        out_specs=[
            pl.BlockSpec((1, IPS, T), lambda b: (b, 0, 0)),
            pl.BlockSpec((1, 1, 1), lambda b: (b, 0, 0)),
        ],
        out_shape=[
            jax.ShapeDtypeStruct((nb, IPS, T), jnp.int32),
            jax.ShapeDtypeStruct((nb, 1, 1), jnp.float32),
        ],
    )(z_ct, codebook_weight)
    idx_flat = idx3.reshape(N)
    cb_pad = jnp.pad(codebook_weight, ((0, 0), (0, CP - C)))
    zq = _sc_gather_call()(idx_flat, cb_pad)
    codebook_idx = idx_flat.reshape(N, 1)
    z_q = zq[:, :C].reshape(B, H, W, C).transpose(0, 3, 1, 2)
    loss_vq = jnp.sum(losspart) * ((1.0 + BETA) / (N * C))
    return (z_q, codebook_idx, loss_vq)

# --- scband reference (transcript-rebuilt; emitter-appended) ---
"""Pipeline reference for scband-vq-17394617549038 (READ-ONLY COPY).

The authoritative reference and input builder live on the scoring server;
editing this copy changes nothing except your own understanding.
"""

import jax, jax.numpy as jnp
import numpy as np

B, C, H, W = 16, 64, 32, 32
K = 1024
BETA = 0.25

def setup_inputs(seed: int = 0) -> dict:
    key = jax.random.key(seed)
    k1, k2 = jax.random.split(key)
    z_e = jax.random.normal(k1, (B, C, H, W), dtype=jnp.float32)
    codebook_weight = jax.random.normal(k2, (K, C), dtype=jnp.float32) * 0.02
    return {"z_e": z_e, "codebook_weight": codebook_weight}

def reference(z_e, codebook_weight):
    # z_e: [B, C, H, W] -> permute to [B, H, W, C]
    z_perm = jnp.transpose(z_e, (0, 2, 3, 1))
    z_flat = z_perm.reshape(-1, codebook_weight.shape[1])
    # squared L2 distances to every codebook entry
    d = (jnp.sum(z_flat ** 2, axis=1, keepdims=True)
         + jnp.sum(codebook_weight ** 2, axis=1)
         - 2.0 * jnp.matmul(z_flat, codebook_weight.T))
    codebook_idx = jnp.argmin(d, axis=1)[:, None]
    # one-hot encodings then matmul (faithful to torch scatter_ + matmul)
    encodings = jax.nn.one_hot(codebook_idx[:, 0], K, dtype=jnp.float32)
    z_quant = jnp.matmul(encodings, codebook_weight).reshape(z_perm.shape)
    # straight-through estimator
    z_q_perm = z_perm + jax.lax.stop_gradient(z_quant - z_perm)
    z_q = jnp.transpose(z_q_perm, (0, 3, 1, 2))
    loss_codebook = jnp.mean((jax.lax.stop_gradient(z_quant) - z_perm) ** 2)
    loss_commit = jnp.mean((z_quant - jax.lax.stop_gradient(z_perm)) ** 2)
    loss_vq = loss_codebook + loss_commit * BETA
    return (z_q, codebook_idx, loss_vq)

if __name__ == "__main__":
    import jax
    _d = setup_inputs()
    print(jax.jit(kernel)(*tuple(_d.values())))

</pallas_src>

<mosaic_0001>
#map = affine_map<(d0, d1) -> (0)>
#map1 = affine_map<(d0, d1) -> (0, 0)>
module attributes {stable_mosaic.version = 14 : i64} {
  func.func @_sc_gather(%arg0: i32, %arg1: i32, %arg2: memref<16384xi32, #tpu.memory_space<hbm>>, %arg3: memref<1024x128xf32, #tpu.memory_space<hbm>>, %arg4: memref<16384x128xf32, #tpu.memory_space<hbm>>, %arg5: memref<512xi32, #tpu.memory_space<vmem>>, %arg6: memref<512x128xf32, #tpu.memory_space<vmem>>, %arg7: memref<!tpu.dma_semaphore, #tpu.memory_space<semaphore_mem>>) attributes {dimension_semantics = [#tpu.dimension_semantics<core_parallel>, #tpu.dimension_semantics<subcore_parallel>], iteration_bounds = array<i64: 2, 16>, scalar_prefetch = 0 : i64, scratch_operands = 3 : i64, tpu.core_type = #tpu.core_type<sc_vector_subcore>, window_params = [{transform_indices = #map}, {transform_indices = #map1}, {transform_indices = #map1}]} {
    %mul3A = arith.constant 2 : i32
    %mul3A_0 = arith.muli %arg1, %mul3A : i32
    %add3A = arith.addi %mul3A_0, %arg0 : i32
    %mul3A_1 = arith.constant 512 : i32
    %mul3A_2 = arith.muli %add3A, %mul3A_1 : i32
    "tpu.region"() ({
      %run_scoped3A = tpu.sem_alloc : memref<!tpu.dma_semaphore, #tpu.memory_space<semaphore_mem>>
      %dma_start3A_418 = tpu.memref_slice %arg2[%mul3A_2] : memref<16384xi32, #tpu.memory_space<hbm>> -> memref<512xi32, #tpu.memory_space<hbm>>
      %dma_start3A_419 = tpu.memref_slice %arg2[%mul3A_2] : memref<16384xi32, #tpu.memory_space<hbm>> -> memref<512xi32, #tpu.memory_space<hbm>>
      tpu.enqueue_dma source(%dma_start3A_419 : memref<512xi32, #tpu.memory_space<hbm>>) target(%arg5 : memref<512xi32, #tpu.memory_space<vmem>>) target_semaphore(%run_scoped3A : memref<!tpu.dma_semaphore, #tpu.memory_space<semaphore_mem>>)
      %dma_wait3A_420 = tpu.memref_slice %arg2[%mul3A_2] : memref<16384xi32, #tpu.memory_space<hbm>> -> memref<512xi32, #tpu.memory_space<hbm>>
      %dma_wait3A_421 = tpu.memref_slice %arg2[%mul3A_2] : memref<16384xi32, #tpu.memory_space<hbm>> -> memref<512xi32, #tpu.memory_space<hbm>>
      tpu.wait_dma2 semaphore(%run_scoped3A : memref<!tpu.dma_semaphore, #tpu.memory_space<semaphore_mem>>) src(%dma_wait3A_421 : memref<512xi32, #tpu.memory_space<hbm>>) dst(%arg5 : memref<512xi32, #tpu.memory_space<vmem>>)
      tpu.yield
    }) : () -> ()
    %get3A = arith.constant 0 : index
    %get3A_3 = tpu.vector_load %arg5[%get3A] {strides = array<i32>} : memref<512xi32, #tpu.memory_space<vmem>>, vector<16xi32>,
    %get3A_4 = vector.shape_cast %get3A_3 : vector<16xi32> to vector<16xi32>
    %jit3A = arith.constant 0 : i32
    %jit3A_5 = arith.constant 1023 : i32
    %max3A = vector.broadcast %jit3A : i32 to vector<16xi32>
    %max3A_6 = arith.maxsi %max3A, %get3A_4 : vector<16xi32>
    %min3A = vector.broadcast %jit3A_5 : i32 to vector<16xi32>
    %min3A_7 = arith.minsi %min3A, %max3A_6 : vector<16xi32>
    %swap3A = arith.constant 0 : index
    %swap3A_8 = tpu.vector_load %arg5[%swap3A] {strides = array<i32>} : memref<512xi32, #tpu.memory_space<vmem>>, vector<16xi32>,
    %swap3A_9 = vector.shape_cast %swap3A_8 : vector<16xi32> to vector<16xi32>
    %swap3A_10 = vector.shape_cast %min3A_7 : vector<16xi32> to vector<16xi32>
    tpu.vector_store %arg5[%swap3A], %swap3A_10 {strides = array<i32>} : memref<512xi32, #tpu.memory_space<vmem>>, vector<16xi32>,
    %get3A_11 = arith.constant 16 : index
    %get3A_12 = tpu.vector_load %arg5[%get3A_11] {strides = array<i32>} : memref<512xi32, #tpu.memory_space<vmem>>, vector<16xi32>,
    %get3A_13 = vector.shape_cast %get3A_12 : vector<16xi32> to vector<16xi32>
    %jit3A_14 = arith.constant 0 : i32
    %jit3A_15 = arith.constant 1023 : i32
    %max3A_16 = vector.broadcast %jit3A_14 : i32 to vector<16xi32>
    %max3A_17 = arith.maxsi %max3A_16, %get3A_13 : vector<16xi32>
    %min3A_18 = vector.broadcast %jit3A_15 : i32 to vector<16xi32>
    %min3A_19 = arith.minsi %min3A_18, %max3A_17 : vector<16xi32>
    %swap3A_20 = arith.constant 16 : index
    %swap3A_21 = tpu.vector_load %arg5[%swap3A_20] {strides = array<i32>} : memref<512xi32, #tpu.memory_space<vmem>>, vector<16xi32>,
    %swap3A_22 = vector.shape_cast %swap3A_21 : vector<16xi32> to vector<16xi32>
    %swap3A_23 = vector.shape_cast %min3A_19 : vector<16xi32> to vector<16xi32>
    tpu.vector_store %arg5[%swap3A_20], %swap3A_23 {strides = array<i32>} : memref<512xi32, #tpu.memory_space<vmem>>, vector<16xi32>,
    %get3A_24 = arith.constant 32 : index
    %get3A_25 = tpu.vector_load %arg5[%get3A_24] {strides = array<i32>} : memref<512xi32, #tpu.memory_space<vmem>>, vector<16xi32>,
    %get3A_26 = vector.shape_cast %get3A_25 : vector<16xi32> to vector<16xi32>
    %jit3A_27 = arith.constant 0 : i32
    %jit3A_28 = arith.constant 1023 : i32
    %max3A_29 = vector.broadcast %jit3A_27 : i32 to vector<16xi32>
    %max3A_30 = arith.maxsi %max3A_29, %get3A_26 : vector<16xi32>
    %min3A_31 = vector.broadcast %jit3A_28 : i32 to vector<16xi32>
    %min3A_32 = arith.minsi %min3A_31, %max3A_30 : vector<16xi32>
    %swap3A_33 = arith.constant 32 : index
    %swap3A_34 = tpu.vector_load %arg5[%swap3A_33] {strides = array<i32>} : memref<512xi32, #tpu.memory_space<vmem>>, vector<16xi32>,
    %swap3A_35 = vector.shape_cast %swap3A_34 : vector<16xi32> to vector<16xi32>
    %swap3A_36 = vector.shape_cast %min3A_32 : vector<16xi32> to vector<16xi32>
    tpu.vector_store %arg5[%swap3A_33], %swap3A_36 {strides = array<i32>} : memref<512xi32, #tpu.memory_space<vmem>>, vector<16xi32>,
    %get3A_37 = arith.constant 48 : index
    %get3A_38 = tpu.vector_load %arg5[%get3A_37] {strides = array<i32>} : memref<512xi32, #tpu.memory_space<vmem>>, vector<16xi32>,
    %get3A_39 = vector.shape_cast %get3A_38 : vector<16xi32> to vector<16xi32>
    %jit3A_40 = arith.constant 0 : i32
    %jit3A_41 = arith.constant 1023 : i32
    %max3A_42 = vector.broadcast %jit3A_40 : i32 to vector<16xi32>
    %max3A_43 = arith.maxsi %max3A_42, %get3A_39 : vector<16xi32>
    %min3A_44 = vector.broadcast %jit3A_41 : i32 to vector<16xi32>
    %min3A_45 = arith.minsi %min3A_44, %max3A_43 : vector<16xi32>
    %swap3A_46 = arith.constant 48 : index
    %swap3A_47 = tpu.vector_load %arg5[%swap3A_46] {strides = array<i32>} : memref<512xi32, #tpu.memory_space<vmem>>, vector<16xi32>,
    %swap3A_48 = vector.shape_cast %swap3A_47 : vector<16xi32> to vector<16xi32>
    %swap3A_49 = vector.shape_cast %min3A_45 : vector<16xi32> to vector<16xi32>
    tpu.vector_store %arg5[%swap3A_46], %swap3A_49 {strides = array<i32>} : memref<512xi32, #tpu.memory_space<vmem>>, vector<16xi32>,
    %get3A_50 = arith.constant 64 : index
    %get3A_51 = tpu.vector_load %arg5[%get3A_50] {strides = array<i32>} : memref<512xi32, #tpu.memory_space<vmem>>, vector<16xi32>,
    %get3A_52 = vector.shape_cast %get3A_51 : vector<16xi32> to vector<16xi32>
    %jit3A_53 = arith.constant 0 : i32
    %jit3A_54 = arith.constant 1023 : i32
    %max3A_55 = vector.broadcast %jit3A_53 : i32 to vector<16xi32>
    %max3A_56 = arith.maxsi %max3A_55, %get3A_52 : vector<16xi32>
    %min3A_57 = vector.broadcast %jit3A_54 : i32 to vector<16xi32>
    %min3A_58 = arith.minsi %min3A_57, %max3A_56 : vector<16xi32>
    %swap3A_59 = arith.constant 64 : index
    %swap3A_60 = tpu.vector_load %arg5[%swap3A_59] {strides = array<i32>} : memref<512xi32, #tpu.memory_space<vmem>>, vector<16xi32>,
    %swap3A_61 = vector.shape_cast %swap3A_60 : vector<16xi32> to vector<16xi32>
    %swap3A_62 = vector.shape_cast %min3A_58 : vector<16xi32> to vector<16xi32>
    tpu.vector_store %arg5[%swap3A_59], %swap3A_62 {strides = array<i32>} : memref<512xi32, #tpu.memory_space<vmem>>, vector<16xi32>,
    %get3A_63 = arith.constant 80 : index
    %get3A_64 = tpu.vector_load %arg5[%get3A_63] {strides = array<i32>} : memref<512xi32, #tpu.memory_space<vmem>>, vector<16xi32>,
    %get3A_65 = vector.shape_cast %get3A_64 : vector<16xi32> to vector<16xi32>
    %jit3A_66 = arith.constant 0 : i32
    %jit3A_67 = arith.constant 1023 : i32
    %max3A_68 = vector.broadcast %jit3A_66 : i32 to vector<16xi32>
    %max3A_69 = arith.maxsi %max3A_68, %get3A_65 : vector<16xi32>
    %min3A_70 = vector.broadcast %jit3A_67 : i32 to vector<16xi32>
    %min3A_71 = arith.minsi %min3A_70, %max3A_69 : vector<16xi32>
    %swap3A_72 = arith.constant 80 : index
    %swap3A_73 = tpu.vector_load %arg5[%swap3A_72] {strides = array<i32>} : memref<512xi32, #tpu.memory_space<vmem>>, vector<16xi32>,
    %swap3A_74 = vector.shape_cast %swap3A_73 : vector<16xi32> to vector<16xi32>
    %swap3A_75 = vector.shape_cast %min3A_71 : vector<16xi32> to vector<16xi32>
    tpu.vector_store %arg5[%swap3A_72], %swap3A_75 {strides = array<i32>} : memref<512xi32, #tpu.memory_space<vmem>>, vector<16xi32>,
    %get3A_76 = arith.constant 96 : index
    %get3A_77 = tpu.vector_load %arg5[%get3A_76] {strides = array<i32>} : memref<512xi32, #tpu.memory_space<vmem>>, vector<16xi32>,
    %get3A_78 = vector.shape_cast %get3A_77 : vector<16xi32> to vector<16xi32>
    %jit3A_79 = arith.constant 0 : i32
    %jit3A_80 = arith.constant 1023 : i32
    %max3A_81 = vector.broadcast %jit3A_79 : i32 to vector<16xi32>
    %max3A_82 = arith.maxsi %max3A_81, %get3A_78 : vector<16xi32>
    %min3A_83 = vector.broadcast %jit3A_80 : i32 to vector<16xi32>
    %min3A_84 = arith.minsi %min3A_83, %max3A_82 : vector<16xi32>
    %swap3A_85 = arith.constant 96 : index
    %swap3A_86 = tpu.vector_load %arg5[%swap3A_85] {strides = array<i32>} : memref<512xi32, #tpu.memory_space<vmem>>, vector<16xi32>,
    %swap3A_87 = vector.shape_cast %swap3A_86 : vector<16xi32> to vector<16xi32>
    %swap3A_88 = vector.shape_cast %min3A_84 : vector<16xi32> to vector<16xi32>
    tpu.vector_store %arg5[%swap3A_85], %swap3A_88 {strides = array<i32>} : memref<512xi32, #tpu.memory_space<vmem>>, vector<16xi32>,
    %get3A_89 = arith.constant 112 : index
    %get3A_90 = tpu.vector_load %arg5[%get3A_89] {strides = array<i32>} : memref<512xi32, #tpu.memory_space<vmem>>, vector<16xi32>,
    %get3A_91 = vector.shape_cast %get3A_90 : vector<16xi32> to vector<16xi32>
    %jit3A_92 = arith.constant 0 : i32
    %jit3A_93 = arith.constant 1023 : i32
    %max3A_94 = vector.broadcast %jit3A_92 : i32 to vector<16xi32>
    %max3A_95 = arith.maxsi %max3A_94, %get3A_91 : vector<16xi32>
    %min3A_96 = vector.broadcast %jit3A_93 : i32 to vector<16xi32>
    %min3A_97 = arith.minsi %min3A_96, %max3A_95 : vector<16xi32>
    %swap3A_98 = arith.constant 112 : index
    %swap3A_99 = tpu.vector_load %arg5[%swap3A_98] {strides = array<i32>} : memref<512xi32, #tpu.memory_space<vmem>>, vector<16xi32>,
    %swap3A_100 = vector.shape_cast %swap3A_99 : vector<16xi32> to vector<16xi32>
    %swap3A_101 = vector.shape_cast %min3A_97 : vector<16xi32> to vector<16xi32>
    tpu.vector_store %arg5[%swap3A_98], %swap3A_101 {strides = array<i32>} : memref<512xi32, #tpu.memory_space<vmem>>, vector<16xi32>,
    %get3A_102 = arith.constant 128 : index
    %get3A_103 = tpu.vector_load %arg5[%get3A_102] {strides = array<i32>} : memref<512xi32, #tpu.memory_space<vmem>>, vector<16xi32>,
    %get3A_104 = vector.shape_cast %get3A_103 : vector<16xi32> to vector<16xi32>
    %jit3A_105 = arith.constant 0 : i32
    %jit3A_106 = arith.constant 1023 : i32
    %max3A_107 = vector.broadcast %jit3A_105 : i32 to vector<16xi32>
    %max3A_108 = arith.maxsi %max3A_107, %get3A_104 : vector<16xi32>
    %min3A_109 = vector.broadcast %jit3A_106 : i32 to vector<16xi32>
    %min3A_110 = arith.minsi %min3A_109, %max3A_108 : vector<16xi32>
    %swap3A_111 = arith.constant 128 : index
    %swap3A_112 = tpu.vector_load %arg5[%swap3A_111] {strides = array<i32>} : memref<512xi32, #tpu.memory_space<vmem>>, vector<16xi32>,
    %swap3A_113 = vector.shape_cast %swap3A_112 : vector<16xi32> to vector<16xi32>
    %swap3A_114 = vector.shape_cast %min3A_110 : vector<16xi32> to vector<16xi32>
    tpu.vector_store %arg5[%swap3A_111], %swap3A_114 {strides = array<i32>} : memref<512xi32, #tpu.memory_space<vmem>>, vector<16xi32>,
    %get3A_115 = arith.constant 144 : index
    %get3A_116 = tpu.vector_load %arg5[%get3A_115] {strides = array<i32>} : memref<512xi32, #tpu.memory_space<vmem>>, vector<16xi32>,
    %get3A_117 = vector.shape_cast %get3A_116 : vector<16xi32> to vector<16xi32>
    %jit3A_118 = arith.constant 0 : i32
    %jit3A_119 = arith.constant 1023 : i32
    %max3A_120 = vector.broadcast %jit3A_118 : i32 to vector<16xi32>
    %max3A_121 = arith.maxsi %max3A_120, %get3A_117 : vector<16xi32>
    %min3A_122 = vector.broadcast %jit3A_119 : i32 to vector<16xi32>
    %min3A_123 = arith.minsi %min3A_122, %max3A_121 : vector<16xi32>
    %swap3A_124 = arith.constant 144 : index
    %swap3A_125 = tpu.vector_load %arg5[%swap3A_124] {strides = array<i32>} : memref<512xi32, #tpu.memory_space<vmem>>, vector<16xi32>,
    %swap3A_126 = vector.shape_cast %swap3A_125 : vector<16xi32> to vector<16xi32>
    %swap3A_127 = vector.shape_cast %min3A_123 : vector<16xi32> to vector<16xi32>
    tpu.vector_store %arg5[%swap3A_124], %swap3A_127 {strides = array<i32>} : memref<512xi32, #tpu.memory_space<vmem>>, vector<16xi32>,
    %get3A_128 = arith.constant 160 : index
    %get3A_129 = tpu.vector_load %arg5[%get3A_128] {strides = array<i32>} : memref<512xi32, #tpu.memory_space<vmem>>, vector<16xi32>,
    %get3A_130 = vector.shape_cast %get3A_129 : vector<16xi32> to vector<16xi32>
    %jit3A_131 = arith.constant 0 : i32
    %jit3A_132 = arith.constant 1023 : i32
    %max3A_133 = vector.broadcast %jit3A_131 : i32 to vector<16xi32>
    %max3A_134 = arith.maxsi %max3A_133, %get3A_130 : vector<16xi32>
    %min3A_135 = vector.broadcast %jit3A_132 : i32 to vector<16xi32>
    %min3A_136 = arith.minsi %min3A_135, %max3A_134 : vector<16xi32>
    %swap3A_137 = arith.constant 160 : index
    %swap3A_138 = tpu.vector_load %arg5[%swap3A_137] {strides = array<i32>} : memref<512xi32, #tpu.memory_space<vmem>>, vector<16xi32>,
    %swap3A_139 = vector.shape_cast %swap3A_138 : vector<16xi32> to vector<16xi32>
    %swap3A_140 = vector.shape_cast %min3A_136 : vector<16xi32> to vector<16xi32>
    tpu.vector_store %arg5[%swap3A_137], %swap3A_140 {strides = array<i32>} : memref<512xi32, #tpu.memory_space<vmem>>, vector<16xi32>,
    %get3A_141 = arith.constant 176 : index
    %get3A_142 = tpu.vector_load %arg5[%get3A_141] {strides = array<i32>} : memref<512xi32, #tpu.memory_space<vmem>>, vector<16xi32>,
    %get3A_143 = vector.shape_cast %get3A_142 : vector<16xi32> to vector<16xi32>
    %jit3A_144 = arith.constant 0 : i32
    %jit3A_145 = arith.constant 1023 : i32
    %max3A_146 = vector.broadcast %jit3A_144 : i32 to vector<16xi32>
    %max3A_147 = arith.maxsi %max3A_146, %get3A_143 : vector<16xi32>
    %min3A_148 = vector.broadcast %jit3A_145 : i32 to vector<16xi32>
    %min3A_149 = arith.minsi %min3A_148, %max3A_147 : vector<16xi32>
    %swap3A_150 = arith.constant 176 : index
    %swap3A_151 = tpu.vector_load %arg5[%swap3A_150] {strides = array<i32>} : memref<512xi32, #tpu.memory_space<vmem>>, vector<16xi32>,
    %swap3A_152 = vector.shape_cast %swap3A_151 : vector<16xi32> to vector<16xi32>
    %swap3A_153 = vector.shape_cast %min3A_149 : vector<16xi32> to vector<16xi32>
    tpu.vector_store %arg5[%swap3A_150], %swap3A_153 {strides = array<i32>} : memref<512xi32, #tpu.memory_space<vmem>>, vector<16xi32>,
    %get3A_154 = arith.constant 192 : index
    %get3A_155 = tpu.vector_load %arg5[%get3A_154] {strides = array<i32>} : memref<512xi32, #tpu.memory_space<vmem>>, vector<16xi32>,
    %get3A_156 = vector.shape_cast %get3A_155 : vector<16xi32> to vector<16xi32>
    %jit3A_157 = arith.constant 0 : i32
    %jit3A_158 = arith.constant 1023 : i32
    %max3A_159 = vector.broadcast %jit3A_157 : i32 to vector<16xi32>
    %max3A_160 = arith.maxsi %max3A_159, %get3A_156 : vector<16xi32>
    %min3A_161 = vector.broadcast %jit3A_158 : i32 to vector<16xi32>
    %min3A_162 = arith.minsi %min3A_161, %max3A_160 : vector<16xi32>
    %swap3A_163 = arith.constant 192 : index
    %swap3A_164 = tpu.vector_load %arg5[%swap3A_163] {strides = array<i32>} : memref<512xi32, #tpu.memory_space<vmem>>, vector<16xi32>,
    %swap3A_165 = vector.shape_cast %swap3A_164 : vector<16xi32> to vector<16xi32>
    %swap3A_166 = vector.shape_cast %min3A_162 : vector<16xi32> to vector<16xi32>
    tpu.vector_store %arg5[%swap3A_163], %swap3A_166 {strides = array<i32>} : memref<512xi32, #tpu.memory_space<vmem>>, vector<16xi32>,
    %get3A_167 = arith.constant 208 : index
    %get3A_168 = tpu.vector_load %arg5[%get3A_167] {strides = array<i32>} : memref<512xi32, #tpu.memory_space<vmem>>, vector<16xi32>,
    %get3A_169 = vector.shape_cast %get3A_168 : vector<16xi32> to vector<16xi32>
    %jit3A_170 = arith.constant 0 : i32
    %jit3A_171 = arith.constant 1023 : i32
    %max3A_172 = vector.broadcast %jit3A_170 : i32 to vector<16xi32>
    %max3A_173 = arith.maxsi %max3A_172, %get3A_169 : vector<16xi32>
    %min3A_174 = vector.broadcast %jit3A_171 : i32 to vector<16xi32>
    %min3A_175 = arith.minsi %min3A_174, %max3A_173 : vector<16xi32>
    %swap3A_176 = arith.constant 208 : index
    %swap3A_177 = tpu.vector_load %arg5[%swap3A_176] {strides = array<i32>} : memref<512xi32, #tpu.memory_space<vmem>>, vector<16xi32>,
    %swap3A_178 = vector.shape_cast %swap3A_177 : vector<16xi32> to vector<16xi32>
    %swap3A_179 = vector.shape_cast %min3A_175 : vector<16xi32> to vector<16xi32>
    tpu.vector_store %arg5[%swap3A_176], %swap3A_179 {strides = array<i32>} : memref<512xi32, #tpu.memory_space<vmem>>, vector<16xi32>,
    %get3A_180 = arith.constant 224 : index
    %get3A_181 = tpu.vector_load %arg5[%get3A_180] {strides = array<i32>} : memref<512xi32, #tpu.memory_space<vmem>>, vector<16xi32>,
    %get3A_182 = vector.shape_cast %get3A_181 : vector<16xi32> to vector<16xi32>
    %jit3A_183 = arith.constant 0 : i32
    %jit3A_184 = arith.constant 1023 : i32
    %max3A_185 = vector.broadcast %jit3A_183 : i32 to vector<16xi32>
    %max3A_186 = arith.maxsi %max3A_185, %get3A_182 : vector<16xi32>
    %min3A_187 = vector.broadcast %jit3A_184 : i32 to vector<16xi32>
    %min3A_188 = arith.minsi %min3A_187, %max3A_186 : vector<16xi32>
    %swap3A_189 = arith.constant 224 : index
    %swap3A_190 = tpu.vector_load %arg5[%swap3A_189] {strides = array<i32>} : memref<512xi32, #tpu.memory_space<vmem>>, vector<16xi32>,
    %swap3A_191 = vector.shape_cast %swap3A_190 : vector<16xi32> to vector<16xi32>
    %swap3A_192 = vector.shape_cast %min3A_188 : vector<16xi32> to vector<16xi32>
    tpu.vector_store %arg5[%swap3A_189], %swap3A_192 {strides = array<i32>} : memref<512xi32, #tpu.memory_space<vmem>>, vector<16xi32>,
    %get3A_193 = arith.constant 240 : index
    %get3A_194 = tpu.vector_load %arg5[%get3A_193] {strides = array<i32>} : memref<512xi32, #tpu.memory_space<vmem>>, vector<16xi32>,
    %get3A_195 = vector.shape_cast %get3A_194 : vector<16xi32> to vector<16xi32>
    %jit3A_196 = arith.constant 0 : i32
    %jit3A_197 = arith.constant 1023 : i32
    %max3A_198 = vector.broadcast %jit3A_196 : i32 to vector<16xi32>
    %max3A_199 = arith.maxsi %max3A_198, %get3A_195 : vector<16xi32>
    %min3A_200 = vector.broadcast %jit3A_197 : i32 to vector<16xi32>
    %min3A_201 = arith.minsi %min3A_200, %max3A_199 : vector<16xi32>
    %swap3A_202 = arith.constant 240 : index
    %swap3A_203 = tpu.vector_load %arg5[%swap3A_202] {strides = array<i32>} : memref<512xi32, #tpu.memory_space<vmem>>, vector<16xi32>,
    %swap3A_204 = vector.shape_cast %swap3A_203 : vector<16xi32> to vector<16xi32>
    %swap3A_205 = vector.shape_cast %min3A_201 : vector<16xi32> to vector<16xi32>
    tpu.vector_store %arg5[%swap3A_202], %swap3A_205 {strides = array<i32>} : memref<512xi32, #tpu.memory_space<vmem>>, vector<16xi32>,
    %get3A_206 = arith.constant 256 : index
    %get3A_207 = tpu.vector_load %arg5[%get3A_206] {strides = array<i32>} : memref<512xi32, #tpu.memory_space<vmem>>, vector<16xi32>,
    %get3A_208 = vector.shape_cast %get3A_207 : vector<16xi32> to vector<16xi32>
    %jit3A_209 = arith.constant 0 : i32
    %jit3A_210 = arith.constant 1023 : i32
    %max3A_211 = vector.broadcast %jit3A_209 : i32 to vector<16xi32>
    %max3A_212 = arith.maxsi %max3A_211, %get3A_208 : vector<16xi32>
    %min3A_213 = vector.broadcast %jit3A_210 : i32 to vector<16xi32>
    %min3A_214 = arith.minsi %min3A_213, %max3A_212 : vector<16xi32>
    %swap3A_215 = arith.constant 256 : index
    %swap3A_216 = tpu.vector_load %arg5[%swap3A_215] {strides = array<i32>} : memref<512xi32, #tpu.memory_space<vmem>>, vector<16xi32>,
    %swap3A_217 = vector.shape_cast %swap3A_216 : vector<16xi32> to vector<16xi32>
    %swap3A_218 = vector.shape_cast %min3A_214 : vector<16xi32> to vector<16xi32>
    tpu.vector_store %arg5[%swap3A_215], %swap3A_218 {strides = array<i32>} : memref<512xi32, #tpu.memory_space<vmem>>, vector<16xi32>,
    %get3A_219 = arith.constant 272 : index
    %get3A_220 = tpu.vector_load %arg5[%get3A_219] {strides = array<i32>} : memref<512xi32, #tpu.memory_space<vmem>>, vector<16xi32>,
    %get3A_221 = vector.shape_cast %get3A_220 : vector<16xi32> to vector<16xi32>
    %jit3A_222 = arith.constant 0 : i32
    %jit3A_223 = arith.constant 1023 : i32
    %max3A_224 = vector.broadcast %jit3A_222 : i32 to vector<16xi32>
    %max3A_225 = arith.maxsi %max3A_224, %get3A_221 : vector<16xi32>
    %min3A_226 = vector.broadcast %jit3A_223 : i32 to vector<16xi32>
    %min3A_227 = arith.minsi %min3A_226, %max3A_225 : vector<16xi32>
    %swap3A_228 = arith.constant 272 : index
    %swap3A_229 = tpu.vector_load %arg5[%swap3A_228] {strides = array<i32>} : memref<512xi32, #tpu.memory_space<vmem>>, vector<16xi32>,
    %swap3A_230 = vector.shape_cast %swap3A_229 : vector<16xi32> to vector<16xi32>
    %swap3A_231 = vector.shape_cast %min3A_227 : vector<16xi32> to vector<16xi32>
    tpu.vector_store %arg5[%swap3A_228], %swap3A_231 {strides = array<i32>} : memref<512xi32, #tpu.memory_space<vmem>>, vector<16xi32>,
    %get3A_232 = arith.constant 288 : index
    %get3A_233 = tpu.vector_load %arg5[%get3A_232] {strides = array<i32>} : memref<512xi32, #tpu.memory_space<vmem>>, vector<16xi32>,
    %get3A_234 = vector.shape_cast %get3A_233 : vector<16xi32> to vector<16xi32>
    %jit3A_235 = arith.constant 0 : i32
    %jit3A_236 = arith.constant 1023 : i32
    %max3A_237 = vector.broadcast %jit3A_235 : i32 to vector<16xi32>
    %max3A_238 = arith.maxsi %max3A_237, %get3A_234 : vector<16xi32>
    %min3A_239 = vector.broadcast %jit3A_236 : i32 to vector<16xi32>
    %min3A_240 = arith.minsi %min3A_239, %max3A_238 : vector<16xi32>
    %swap3A_241 = arith.constant 288 : index
    %swap3A_242 = tpu.vector_load %arg5[%swap3A_241] {strides = array<i32>} : memref<512xi32, #tpu.memory_space<vmem>>, vector<16xi32>,
    %swap3A_243 = vector.shape_cast %swap3A_242 : vector<16xi32> to vector<16xi32>
    %swap3A_244 = vector.shape_cast %min3A_240 : vector<16xi32> to vector<16xi32>
    tpu.vector_store %arg5[%swap3A_241], %swap3A_244 {strides = array<i32>} : memref<512xi32, #tpu.memory_space<vmem>>, vector<16xi32>,
    %get3A_245 = arith.constant 304 : index
    %get3A_246 = tpu.vector_load %arg5[%get3A_245] {strides = array<i32>} : memref<512xi32, #tpu.memory_space<vmem>>, vector<16xi32>,
    %get3A_247 = vector.shape_cast %get3A_246 : vector<16xi32> to vector<16xi32>
    %jit3A_248 = arith.constant 0 : i32
    %jit3A_249 = arith.constant 1023 : i32
    %max3A_250 = vector.broadcast %jit3A_248 : i32 to vector<16xi32>
    %max3A_251 = arith.maxsi %max3A_250, %get3A_247 : vector<16xi32>
    %min3A_252 = vector.broadcast %jit3A_249 : i32 to vector<16xi32>
    %min3A_253 = arith.minsi %min3A_252, %max3A_251 : vector<16xi32>
    %swap3A_254 = arith.constant 304 : index
    %swap3A_255 = tpu.vector_load %arg5[%swap3A_254] {strides = array<i32>} : memref<512xi32, #tpu.memory_space<vmem>>, vector<16xi32>,
    %swap3A_256 = vector.shape_cast %swap3A_255 : vector<16xi32> to vector<16xi32>
    %swap3A_257 = vector.shape_cast %min3A_253 : vector<16xi32> to vector<16xi32>
    tpu.vector_store %arg5[%swap3A_254], %swap3A_257 {strides = array<i32>} : memref<512xi32, #tpu.memory_space<vmem>>, vector<16xi32>,
    %get3A_258 = arith.constant 320 : index
    %get3A_259 = tpu.vector_load %arg5[%get3A_258] {strides = array<i32>} : memref<512xi32, #tpu.memory_space<vmem>>, vector<16xi32>,
    %get3A_260 = vector.shape_cast %get3A_259 : vector<16xi32> to vector<16xi32>
    %jit3A_261 = arith.constant 0 : i32
    %jit3A_262 = arith.constant 1023 : i32
    %max3A_263 = vector.broadcast %jit3A_261 : i32 to vector<16xi32>
    %max3A_264 = arith.maxsi %max3A_263, %get3A_260 : vector<16xi32>
    %min3A_265 = vector.broadcast %jit3A_262 : i32 to vector<16xi32>
    %min3A_266 = arith.minsi %min3A_265, %max3A_264 : vector<16xi32>
    %swap3A_267 = arith.constant 320 : index
    %swap3A_268 = tpu.vector_load %arg5[%swap3A_267] {strides = array<i32>} : memref<512xi32, #tpu.memory_space<vmem>>, vector<16xi32>,
    %swap3A_269 = vector.shape_cast %swap3A_268 : vector<16xi32> to vector<16xi32>
    %swap3A_270 = vector.shape_cast %min3A_266 : vector<16xi32> to vector<16xi32>
    tpu.vector_store %arg5[%swap3A_267], %swap3A_270 {strides = array<i32>} : memref<512xi32, #tpu.memory_space<vmem>>, vector<16xi32>,
    %get3A_271 = arith.constant 336 : index
    %get3A_272 = tpu.vector_load %arg5[%get3A_271] {strides = array<i32>} : memref<512xi32, #tpu.memory_space<vmem>>, vector<16xi32>,
    %get3A_273 = vector.shape_cast %get3A_272 : vector<16xi32> to vector<16xi32>
    %jit3A_274 = arith.constant 0 : i32
    %jit3A_275 = arith.constant 1023 : i32
    %max3A_276 = vector.broadcast %jit3A_274 : i32 to vector<16xi32>
    %max3A_277 = arith.maxsi %max3A_276, %get3A_273 : vector<16xi32>
    %min3A_278 = vector.broadcast %jit3A_275 : i32 to vector<16xi32>
    %min3A_279 = arith.minsi %min3A_278, %max3A_277 : vector<16xi32>
    %swap3A_280 = arith.constant 336 : index
    %swap3A_281 = tpu.vector_load %arg5[%swap3A_280] {strides = array<i32>} : memref<512xi32, #tpu.memory_space<vmem>>, vector<16xi32>,
    %swap3A_282 = vector.shape_cast %swap3A_281 : vector<16xi32> to vector<16xi32>
    %swap3A_283 = vector.shape_cast %min3A_279 : vector<16xi32> to vector<16xi32>
    tpu.vector_store %arg5[%swap3A_280], %swap3A_283 {strides = array<i32>} : memref<512xi32, #tpu.memory_space<vmem>>, vector<16xi32>,
    %get3A_284 = arith.constant 352 : index
    %get3A_285 = tpu.vector_load %arg5[%get3A_284] {strides = array<i32>} : memref<512xi32, #tpu.memory_space<vmem>>, vector<16xi32>,
    %get3A_286 = vector.shape_cast %get3A_285 : vector<16xi32> to vector<16xi32>
    %jit3A_287 = arith.constant 0 : i32
    %jit3A_288 = arith.constant 1023 : i32
    %max3A_289 = vector.broadcast %jit3A_287 : i32 to vector<16xi32>
    %max3A_290 = arith.maxsi %max3A_289, %get3A_286 : vector<16xi32>
    %min3A_291 = vector.broadcast %jit3A_288 : i32 to vector<16xi32>
    %min3A_292 = arith.minsi %min3A_291, %max3A_290 : vector<16xi32>
    %swap3A_293 = arith.constant 352 : index
    %swap3A_294 = tpu.vector_load %arg5[%swap3A_293] {strides = array<i32>} : memref<512xi32, #tpu.memory_space<vmem>>, vector<16xi32>,
    %swap3A_295 = vector.shape_cast %swap3A_294 : vector<16xi32> to vector<16xi32>
    %swap3A_296 = vector.shape_cast %min3A_292 : vector<16xi32> to vector<16xi32>
    tpu.vector_store %arg5[%swap3A_293], %swap3A_296 {strides = array<i32>} : memref<512xi32, #tpu.memory_space<vmem>>, vector<16xi32>,
    %get3A_297 = arith.constant 368 : index
    %get3A_298 = tpu.vector_load %arg5[%get3A_297] {strides = array<i32>} : memref<512xi32, #tpu.memory_space<vmem>>, vector<16xi32>,
    %get3A_299 = vector.shape_cast %get3A_298 : vector<16xi32> to vector<16xi32>
    %jit3A_300 = arith.constant 0 : i32
    %jit3A_301 = arith.constant 1023 : i32
    %max3A_302 = vector.broadcast %jit3A_300 : i32 to vector<16xi32>
    %max3A_303 = arith.maxsi %max3A_302, %get3A_299 : vector<16xi32>
    %min3A_304 = vector.broadcast %jit3A_301 : i32 to vector<16xi32>
    %min3A_305 = arith.minsi %min3A_304, %max3A_303 : vector<16xi32>
    %swap3A_306 = arith.constant 368 : index
    %swap3A_307 = tpu.vector_load %arg5[%swap3A_306] {strides = array<i32>} : memref<512xi32, #tpu.memory_space<vmem>>, vector<16xi32>,
    %swap3A_308 = vector.shape_cast %swap3A_307 : vector<16xi32> to vector<16xi32>
    %swap3A_309 = vector.shape_cast %min3A_305 : vector<16xi32> to vector<16xi32>
    tpu.vector_store %arg5[%swap3A_306], %swap3A_309 {strides = array<i32>} : memref<512xi32, #tpu.memory_space<vmem>>, vector<16xi32>,
    %get3A_310 = arith.constant 384 : index
    %get3A_311 = tpu.vector_load %arg5[%get3A_310] {strides = array<i32>} : memref<512xi32, #tpu.memory_space<vmem>>, vector<16xi32>,
    %get3A_312 = vector.shape_cast %get3A_311 : vector<16xi32> to vector<16xi32>
    %jit3A_313 = arith.constant 0 : i32
    %jit3A_314 = arith.constant 1023 : i32
    %max3A_315 = vector.broadcast %jit3A_313 : i32 to vector<16xi32>
    %max3A_316 = arith.maxsi %max3A_315, %get3A_312 : vector<16xi32>
    %min3A_317 = vector.broadcast %jit3A_314 : i32 to vector<16xi32>
    %min3A_318 = arith.minsi %min3A_317, %max3A_316 : vector<16xi32>
    %swap3A_319 = arith.constant 384 : index
    %swap3A_320 = tpu.vector_load %arg5[%swap3A_319] {strides = array<i32>} : memref<512xi32, #tpu.memory_space<vmem>>, vector<16xi32>,
    %swap3A_321 = vector.shape_cast %swap3A_320 : vector<16xi32> to vector<16xi32>
    %swap3A_322 = vector.shape_cast %min3A_318 : vector<16xi32> to vector<16xi32>
    tpu.vector_store %arg5[%swap3A_319], %swap3A_322 {strides = array<i32>} : memref<512xi32, #tpu.memory_space<vmem>>, vector<16xi32>,
    %get3A_323 = arith.constant 400 : index
    %get3A_324 = tpu.vector_load %arg5[%get3A_323] {strides = array<i32>} : memref<512xi32, #tpu.memory_space<vmem>>, vector<16xi32>,
    %get3A_325 = vector.shape_cast %get3A_324 : vector<16xi32> to vector<16xi32>
    %jit3A_326 = arith.constant 0 : i32
    %jit3A_327 = arith.constant 1023 : i32
    %max3A_328 = vector.broadcast %jit3A_326 : i32 to vector<16xi32>
    %max3A_329 = arith.maxsi %max3A_328, %get3A_325 : vector<16xi32>
    %min3A_330 = vector.broadcast %jit3A_327 : i32 to vector<16xi32>
    %min3A_331 = arith.minsi %min3A_330, %max3A_329 : vector<16xi32>
    %swap3A_332 = arith.constant 400 : index
    %swap3A_333 = tpu.vector_load %arg5[%swap3A_332] {strides = array<i32>} : memref<512xi32, #tpu.memory_space<vmem>>, vector<16xi32>,
    %swap3A_334 = vector.shape_cast %swap3A_333 : vector<16xi32> to vector<16xi32>
    %swap3A_335 = vector.shape_cast %min3A_331 : vector<16xi32> to vector<16xi32>
    tpu.vector_store %arg5[%swap3A_332], %swap3A_335 {strides = array<i32>} : memref<512xi32, #tpu.memory_space<vmem>>, vector<16xi32>,
    %get3A_336 = arith.constant 416 : index
    %get3A_337 = tpu.vector_load %arg5[%get3A_336] {strides = array<i32>} : memref<512xi32, #tpu.memory_space<vmem>>, vector<16xi32>,
    %get3A_338 = vector.shape_cast %get3A_337 : vector<16xi32> to vector<16xi32>
    %jit3A_339 = arith.constant 0 : i32
    %jit3A_340 = arith.constant 1023 : i32
    %max3A_341 = vector.broadcast %jit3A_339 : i32 to vector<16xi32>
    %max3A_342 = arith.maxsi %max3A_341, %get3A_338 : vector<16xi32>
    %min3A_343 = vector.broadcast %jit3A_340 : i32 to vector<16xi32>
    %min3A_344 = arith.minsi %min3A_343, %max3A_342 : vector<16xi32>
    %swap3A_345 = arith.constant 416 : index
    %swap3A_346 = tpu.vector_load %arg5[%swap3A_345] {strides = array<i32>} : memref<512xi32, #tpu.memory_space<vmem>>, vector<16xi32>,
    %swap3A_347 = vector.shape_cast %swap3A_346 : vector<16xi32> to vector<16xi32>
    %swap3A_348 = vector.shape_cast %min3A_344 : vector<16xi32> to vector<16xi32>
    tpu.vector_store %arg5[%swap3A_345], %swap3A_348 {strides = array<i32>} : memref<512xi32, #tpu.memory_space<vmem>>, vector<16xi32>,
    %get3A_349 = arith.constant 432 : index
    %get3A_350 = tpu.vector_load %arg5[%get3A_349] {strides = array<i32>} : memref<512xi32, #tpu.memory_space<vmem>>, vector<16xi32>,
    %get3A_351 = vector.shape_cast %get3A_350 : vector<16xi32> to vector<16xi32>
    %jit3A_352 = arith.constant 0 : i32
    %jit3A_353 = arith.constant 1023 : i32
    %max3A_354 = vector.broadcast %jit3A_352 : i32 to vector<16xi32>
    %max3A_355 = arith.maxsi %max3A_354, %get3A_351 : vector<16xi32>
    %min3A_356 = vector.broadcast %jit3A_353 : i32 to vector<16xi32>
    %min3A_357 = arith.minsi %min3A_356, %max3A_355 : vector<16xi32>
    %swap3A_358 = arith.constant 432 : index
    %swap3A_359 = tpu.vector_load %arg5[%swap3A_358] {strides = array<i32>} : memref<512xi32, #tpu.memory_space<vmem>>, vector<16xi32>,
    %swap3A_360 = vector.shape_cast %swap3A_359 : vector<16xi32> to vector<16xi32>
    %swap3A_361 = vector.shape_cast %min3A_357 : vector<16xi32> to vector<16xi32>
    tpu.vector_store %arg5[%swap3A_358], %swap3A_361 {strides = array<i32>} : memref<512xi32, #tpu.memory_space<vmem>>, vector<16xi32>,
    %get3A_362 = arith.constant 448 : index
    %get3A_363 = tpu.vector_load %arg5[%get3A_362] {strides = array<i32>} : memref<512xi32, #tpu.memory_space<vmem>>, vector<16xi32>,
    %get3A_364 = vector.shape_cast %get3A_363 : vector<16xi32> to vector<16xi32>
    %jit3A_365 = arith.constant 0 : i32
    %jit3A_366 = arith.constant 1023 : i32
    %max3A_367 = vector.broadcast %jit3A_365 : i32 to vector<16xi32>
    %max3A_368 = arith.maxsi %max3A_367, %get3A_364 : vector<16xi32>
    %min3A_369 = vector.broadcast %jit3A_366 : i32 to vector<16xi32>
    %min3A_370 = arith.minsi %min3A_369, %max3A_368 : vector<16xi32>
    %swap3A_371 = arith.constant 448 : index
    %swap3A_372 = tpu.vector_load %arg5[%swap3A_371] {strides = array<i32>} : memref<512xi32, #tpu.memory_space<vmem>>, vector<16xi32>,
    %swap3A_373 = vector.shape_cast %swap3A_372 : vector<16xi32> to vector<16xi32>
    %swap3A_374 = vector.shape_cast %min3A_370 : vector<16xi32> to vector<16xi32>
    tpu.vector_store %arg5[%swap3A_371], %swap3A_374 {strides = array<i32>} : memref<512xi32, #tpu.memory_space<vmem>>, vector<16xi32>,
    %get3A_375 = arith.constant 464 : index
    %get3A_376 = tpu.vector_load %arg5[%get3A_375] {strides = array<i32>} : memref<512xi32, #tpu.memory_space<vmem>>, vector<16xi32>,
    %get3A_377 = vector.shape_cast %get3A_376 : vector<16xi32> to vector<16xi32>
    %jit3A_378 = arith.constant 0 : i32
    %jit3A_379 = arith.constant 1023 : i32
    %max3A_380 = vector.broadcast %jit3A_378 : i32 to vector<16xi32>
    %max3A_381 = arith.maxsi %max3A_380, %get3A_377 : vector<16xi32>
    %min3A_382 = vector.broadcast %jit3A_379 : i32 to vector<16xi32>
    %min3A_383 = arith.minsi %min3A_382, %max3A_381 : vector<16xi32>
    %swap3A_384 = arith.constant 464 : index
    %swap3A_385 = tpu.vector_load %arg5[%swap3A_384] {strides = array<i32>} : memref<512xi32, #tpu.memory_space<vmem>>, vector<16xi32>,
    %swap3A_386 = vector.shape_cast %swap3A_385 : vector<16xi32> to vector<16xi32>
    %swap3A_387 = vector.shape_cast %min3A_383 : vector<16xi32> to vector<16xi32>
    tpu.vector_store %arg5[%swap3A_384], %swap3A_387 {strides = array<i32>} : memref<512xi32, #tpu.memory_space<vmem>>, vector<16xi32>,
    %get3A_388 = arith.constant 480 : index
    %get3A_389 = tpu.vector_load %arg5[%get3A_388] {strides = array<i32>} : memref<512xi32, #tpu.memory_space<vmem>>, vector<16xi32>,
    %get3A_390 = vector.shape_cast %get3A_389 : vector<16xi32> to vector<16xi32>
    %jit3A_391 = arith.constant 0 : i32
    %jit3A_392 = arith.constant 1023 : i32
    %max3A_393 = vector.broadcast %jit3A_391 : i32 to vector<16xi32>
    %max3A_394 = arith.maxsi %max3A_393, %get3A_390 : vector<16xi32>
    %min3A_395 = vector.broadcast %jit3A_392 : i32 to vector<16xi32>
    %min3A_396 = arith.minsi %min3A_395, %max3A_394 : vector<16xi32>
    %swap3A_397 = arith.constant 480 : index
    %swap3A_398 = tpu.vector_load %arg5[%swap3A_397] {strides = array<i32>} : memref<512xi32, #tpu.memory_space<vmem>>, vector<16xi32>,
    %swap3A_399 = vector.shape_cast %swap3A_398 : vector<16xi32> to vector<16xi32>
    %swap3A_400 = vector.shape_cast %min3A_396 : vector<16xi32> to vector<16xi32>
    tpu.vector_store %arg5[%swap3A_397], %swap3A_400 {strides = array<i32>} : memref<512xi32, #tpu.memory_space<vmem>>, vector<16xi32>,
    %get3A_401 = arith.constant 496 : index
    %get3A_402 = tpu.vector_load %arg5[%get3A_401] {strides = array<i32>} : memref<512xi32, #tpu.memory_space<vmem>>, vector<16xi32>,
    %get3A_403 = vector.shape_cast %get3A_402 : vector<16xi32> to vector<16xi32>
    %jit3A_404 = arith.constant 0 : i32
    %jit3A_405 = arith.constant 1023 : i32
    %max3A_406 = vector.broadcast %jit3A_404 : i32 to vector<16xi32>
    %max3A_407 = arith.maxsi %max3A_406, %get3A_403 : vector<16xi32>
    %min3A_408 = vector.broadcast %jit3A_405 : i32 to vector<16xi32>
    %min3A_409 = arith.minsi %min3A_408, %max3A_407 : vector<16xi32>
    %swap3A_410 = arith.constant 496 : index
    %swap3A_411 = tpu.vector_load %arg5[%swap3A_410] {strides = array<i32>} : memref<512xi32, #tpu.memory_space<vmem>>, vector<16xi32>,
    %swap3A_412 = vector.shape_cast %swap3A_411 : vector<16xi32> to vector<16xi32>
    %swap3A_413 = vector.shape_cast %min3A_409 : vector<16xi32> to vector<16xi32>
    tpu.vector_store %arg5[%swap3A_410], %swap3A_413 {strides = array<i32>} : memref<512xi32, #tpu.memory_space<vmem>>, vector<16xi32>,
    %dma_start3A = arith.constant 0 : i32
    %dma_start3A_414 = arith.constant 0 : i32
    %dma_start3A_415 = tpu.memref_slice %arg3[%dma_start3A, %dma_start3A_414] : memref<1024x128xf32, #tpu.memory_space<hbm>> -> memref<1024x128xf32, #tpu.memory_space<hbm>>
    tpu.enqueue_indirect_dma source(%dma_start3A_415 : memref<1024x128xf32, #tpu.memory_space<hbm>>) target(%arg6 : memref<512x128xf32, #tpu.memory_space<vmem>>) offsets(%arg5 : memref<512xi32, #tpu.memory_space<vmem>>) semaphore(%arg7 : memref<!tpu.dma_semaphore, #tpu.memory_space<semaphore_mem>>)
    %dma_wait3A = arith.constant 0 : i32
    %dma_wait3A_416 = arith.constant 0 : i32
    %dma_wait3A_417 = tpu.memref_slice %arg3[%dma_wait3A, %dma_wait3A_416] : memref<1024x128xf32, #tpu.memory_space<hbm>> -> memref<1024x128xf32, #tpu.memory_space<hbm>>
    tpu.wait_indirect_dma semaphore(%arg7 : memref<!tpu.dma_semaphore, #tpu.memory_space<semaphore_mem>>) src(%dma_wait3A_417 : memref<1024x128xf32, #tpu.memory_space<hbm>>) dst(%arg6 : memref<512x128xf32, #tpu.memory_space<vmem>>)
    "tpu.region"() ({
      %run_scoped3A = tpu.sem_alloc : memref<!tpu.dma_semaphore, #tpu.memory_space<semaphore_mem>>
      %dma_start3A_418 = arith.constant 0 : i32
      %dma_start3A_419 = tpu.memref_slice %arg4[%mul3A_2, %dma_start3A_418] : memref<16384x128xf32, #tpu.memory_space<hbm>> -> memref<512x128xf32, #tpu.memory_space<hbm>>
      %dma_start3A_420 = arith.constant 0 : i32
      %dma_start3A_421 = tpu.memref_slice %arg4[%mul3A_2, %dma_start3A_420] : memref<16384x128xf32, #tpu.memory_space<hbm>> -> memref<512x128xf32, #tpu.memory_space<hbm>>
      tpu.enqueue_dma source(%arg6 : memref<512x128xf32, #tpu.memory_space<vmem>>) target(%dma_start3A_421 : memref<512x128xf32, #tpu.memory_space<hbm>>) target_semaphore(%run_scoped3A : memref<!tpu.dma_semaphore, #tpu.memory_space<semaphore_mem>>)
      %dma_wait3A_422 = arith.constant 0 : i32
      %dma_wait3A_423 = tpu.memref_slice %arg4[%mul3A_2, %dma_wait3A_422] : memref<16384x128xf32, #tpu.memory_space<hbm>> -> memref<512x128xf32, #tpu.memory_space<hbm>>
      %dma_wait3A_424 = arith.constant 0 : i32
      %dma_wait3A_425 = tpu.memref_slice %arg4[%mul3A_2, %dma_wait3A_424] : memref<16384x128xf32, #tpu.memory_space<hbm>> -> memref<512x128xf32, #tpu.memory_space<hbm>>
      tpu.wait_dma2 semaphore(%run_scoped3A : memref<!tpu.dma_semaphore, #tpu.memory_space<semaphore_mem>>) src(%arg6 : memref<512x128xf32, #tpu.memory_space<vmem>>) dst(%dma_wait3A_425 : memref<512x128xf32, #tpu.memory_space<hbm>>)
      tpu.yield
    }) : () -> ()
    return
  }
}

module attributes {stable_mosaic.version = 14 : i64} {
  func.func @_argmin_body(%arg0: i32, %arg1: memref<1x8x64x1024xf32, #tpu.memory_space<vmem>>, %arg2: memref<1024x64xf32, #tpu.memory_space<vmem>>, %arg3: memref<1x8x1024xi32, #tpu.memory_space<vmem>>, %arg4: memref<1x1x1xf32, #tpu.memory_space<vmem>>) attributes {dimension_semantics = [#tpu.dimension_semantics<arbitrary>], iteration_bounds = array<i64: 2>, scalar_prefetch = 0 : i64, scratch_operands = 0 : i64, tpu.core_type = #tpu.core_type<tc>, window_params = [{transform_indices = @transform_0, window_bounds = array<i64: 1, 8, 64, 1024>}, {pipeline_mode = #tpu.pipeline_mode<synchronous>, transform_indices = @transform_1, window_bounds = array<i64: 1024, 64>}, {transform_indices = @transform_2, window_bounds = array<i64: 1, 8, 1024>}, {transform_indices = @transform_3, window_bounds = array<i64: 1, 1, 1>}]} {
    %get3A = arith.constant 0 : index
    %get3A_0 = arith.constant 0 : index
    %get3A_1 = vector.load %arg2[%get3A, %get3A_0] : memref<1024x64xf32, #tpu.memory_space<vmem>>, vector<1024x64xf32>
    %mul3A = arith.constant -2.000000e+00 : f32
    %mul3A_2 = vector.broadcast %mul3A : f32 to vector<1024x64xf32>
    %mul3A_3 = arith.mulf %get3A_1, %mul3A_2 : vector<1024x64xf32>
    %mul3A_4 = arith.mulf %get3A_1, %get3A_1 : vector<1024x64xf32>
    %reduce_sum3A = arith.constant dense<0.000000e+00> : vector<1024xf32>
    %reduce_sum3A_5 = vector.multi_reduction <add>, %mul3A_4, %reduce_sum3A [1] : vector<1024x64xf32> to vector<1024xf32>
    %broadcast_in_dim3A = vector.shape_cast %reduce_sum3A_5 : vector<1024xf32> to vector<1024x1xf32>
    %iota3A = tpu.iota {dimensions = array<i32: 0>} : vector<1024x1xi32>
    %convert_element_type3A = arith.sitofp %iota3A : vector<1024x1xi32> to vector<1024x1xf32>
    %get3A_6 = arith.constant 0 : index
    %get3A_7 = arith.constant 0 : index
    %get3A_8 = arith.constant 0 : index
    %get3A_9 = arith.constant 0 : index
    %get3A_10 = vector.load %arg1[%get3A_6, %get3A_7, %get3A_8, %get3A_9] : memref<1x8x64x1024xf32, #tpu.memory_space<vmem>>, vector<1x1x64x1024xf32>
    %get3A_11 = vector.shape_cast %get3A_10 : vector<1x1x64x1024xf32> to vector<64x1024xf32>
    %dot_general3A = arith.constant dense<0.000000e+00> : vector<1024x1024xf32>
    %dot_general3A_12 = tpu.matmul %mul3A_3, %get3A_11, %dot_general3A {dimension_numbers = #tpu.dot_dimension_numbers<[1], [0], [0], [1], [0, 0, 1, 1], [], []>, transpose_lhs_hint = false} : vector<1024x64xf32>, vector<64x1024xf32>, vector<1024x1024xf32> -> vector<1024x1024xf32>
    %mul3A_13 = arith.mulf %get3A_11, %get3A_11 : vector<64x1024xf32>
    %reduce_sum3A_14 = arith.constant dense<0.000000e+00> : vector<1024xf32>
    %reduce_sum3A_15 = vector.multi_reduction <add>, %mul3A_13, %reduce_sum3A_14 [0] : vector<64x1024xf32> to vector<1024xf32>
    %broadcast_in_dim3A_16 = vector.shape_cast %reduce_sum3A_15 : vector<1024xf32> to vector<1x1024xf32>
    %add3A = vector.broadcast %broadcast_in_dim3A_16 : vector<1x1024xf32> to vector<1024x1024xf32>
    %add3A_17 = vector.broadcast %broadcast_in_dim3A : vector<1024x1xf32> to vector<1024x1024xf32>
    %add3A_18 = arith.addf %add3A, %add3A_17 : vector<1024x1024xf32>
    %add3A_19 = arith.addf %add3A_18, %dot_general3A_12 : vector<1024x1024xf32>
    %reduce_min3A = arith.constant dense<0x7F800000> : vector<1024xf32>
    %reduce_min3A_20 = vector.multi_reduction <minimumf>, %add3A_19, %reduce_min3A [0] : vector<1024x1024xf32> to vector<1024xf32>
    %broadcast_in_dim3A_21 = vector.shape_cast %reduce_min3A_20 : vector<1024xf32> to vector<1x1024xf32>
    %eq3A = vector.broadcast %broadcast_in_dim3A_21 : vector<1x1024xf32> to vector<1024x1024xf32>
    %eq3A_22 = arith.cmpf oeq, %add3A_19, %eq3A : vector<1024x1024xf32>
    %jit3A = arith.constant 1.024000e+03 : f32
    %broadcast_in_dim3A_23 = vector.shape_cast %convert_element_type3A : vector<1024x1xf32> to vector<1024x1xf32>
    %broadcast_in_dim3A_24 = vector.broadcast %broadcast_in_dim3A_23 : vector<1024x1xf32> to vector<1024x1024xf32>
    %broadcast_in_dim3A_25 = vector.broadcast %jit3A : f32 to vector<1024x1024xf32>
    %select_n3A = arith.select %eq3A_22, %broadcast_in_dim3A_24, %broadcast_in_dim3A_25 : vector<1024x1024xi1>, vector<1024x1024xf32>
    %reduce_min3A_26 = arith.constant dense<0x7F800000> : vector<1024xf32>
    %reduce_min3A_27 = vector.multi_reduction <minimumf>, %select_n3A, %reduce_min3A_26 [0] : vector<1024x1024xf32> to vector<1024xf32>
    %convert_element_type3A_28 = arith.fptosi %reduce_min3A_27 : vector<1024xf32> to vector<1024xi32>
    %swap3A = arith.constant 0 : index
    %swap3A_29 = arith.constant 0 : index
    %swap3A_30 = arith.constant 0 : index
    %swap3A_31 = vector.load %arg3[%swap3A, %swap3A_29, %swap3A_30] : memref<1x8x1024xi32, #tpu.memory_space<vmem>>, vector<1x1x1024xi32>
    %swap3A_32 = vector.shape_cast %swap3A_31 : vector<1x1x1024xi32> to vector<1024xi32>
    %swap3A_33 = vector.shape_cast %convert_element_type3A_28 : vector<1024xi32> to vector<1x1x1024xi32>
    tpu.vector_store %arg3[%swap3A, %swap3A_29, %swap3A_30], %swap3A_33 {strides = array<i32>} : memref<1x8x1024xi32, #tpu.memory_space<vmem>>, vector<1x1x1024xi32>,
    %reduce_sum3A_34 = vector.shape_cast %broadcast_in_dim3A_21 : vector<1x1024xf32> to vector<1x1x1024xf32>
    %reduce_sum3A_35 = arith.constant dense<0.000000e+00> : vector<1xf32>
    %reduce_sum3A_36 = vector.multi_reduction <add>, %reduce_sum3A_34, %reduce_sum3A_35 [1, 2] : vector<1x1x1024xf32> to vector<1xf32>
    %reduce_sum3A_37 = vector.shape_cast %reduce_sum3A_36 : vector<1xf32> to vector<1x1x1xf32>
    %reduce_sum3A_38 = vector.extract %reduce_sum3A_37[0, 0, 0] : f32 from vector<1x1x1xf32>
    %broadcast_in_dim3A_39 = vector.broadcast %reduce_sum3A_38 : f32 to vector<1x1xf32>
    %get3A_40 = arith.constant 0 : index
    %get3A_41 = arith.constant 1 : index
    %get3A_42 = arith.constant 0 : index
    %get3A_43 = arith.constant 0 : index
    %get3A_44 = vector.load %arg1[%get3A_40, %get3A_41, %get3A_42, %get3A_43] : memref<1x8x64x1024xf32, #tpu.memory_space<vmem>>, vector<1x1x64x1024xf32>
    %get3A_45 = vector.shape_cast %get3A_44 : vector<1x1x64x1024xf32> to vector<64x1024xf32>
    %dot_general3A_46 = arith.constant dense<0.000000e+00> : vector<1024x1024xf32>
    %dot_general3A_47 = tpu.matmul %mul3A_3, %get3A_45, %dot_general3A_46 {dimension_numbers = #tpu.dot_dimension_numbers<[1], [0], [0], [1], [0, 0, 1, 1], [], []>, transpose_lhs_hint = false} : vector<1024x64xf32>, vector<64x1024xf32>, vector<1024x1024xf32> -> vector<1024x1024xf32>
    %mul3A_48 = arith.mulf %get3A_45, %get3A_45 : vector<64x1024xf32>
    %reduce_sum3A_49 = arith.constant dense<0.000000e+00> : vector<1024xf32>
    %reduce_sum3A_50 = vector.multi_reduction <add>, %mul3A_48, %reduce_sum3A_49 [0] : vector<64x1024xf32> to vector<1024xf32>
    %broadcast_in_dim3A_51 = vector.shape_cast %reduce_sum3A_50 : vector<1024xf32> to vector<1x1024xf32>
    %add3A_52 = vector.broadcast %broadcast_in_dim3A_51 : vector<1x1024xf32> to vector<1024x1024xf32>
    %add3A_53 = vector.broadcast %broadcast_in_dim3A : vector<1024x1xf32> to vector<1024x1024xf32>
    %add3A_54 = arith.addf %add3A_52, %add3A_53 : vector<1024x1024xf32>
    %add3A_55 = arith.addf %add3A_54, %dot_general3A_47 : vector<1024x1024xf32>
    %reduce_min3A_56 = arith.constant dense<0x7F800000> : vector<1024xf32>
    %reduce_min3A_57 = vector.multi_reduction <minimumf>, %add3A_55, %reduce_min3A_56 [0] : vector<1024x1024xf32> to vector<1024xf32>
    %broadcast_in_dim3A_58 = vector.shape_cast %reduce_min3A_57 : vector<1024xf32> to vector<1x1024xf32>
    %eq3A_59 = vector.broadcast %broadcast_in_dim3A_58 : vector<1x1024xf32> to vector<1024x1024xf32>
    %eq3A_60 = arith.cmpf oeq, %add3A_55, %eq3A_59 : vector<1024x1024xf32>
    %jit3A_61 = arith.constant 1.024000e+03 : f32
    %broadcast_in_dim3A_62 = vector.shape_cast %convert_element_type3A : vector<1024x1xf32> to vector<1024x1xf32>
    %broadcast_in_dim3A_63 = vector.broadcast %broadcast_in_dim3A_62 : vector<1024x1xf32> to vector<1024x1024xf32>
    %broadcast_in_dim3A_64 = vector.broadcast %jit3A_61 : f32 to vector<1024x1024xf32>
    %select_n3A_65 = arith.select %eq3A_60, %broadcast_in_dim3A_63, %broadcast_in_dim3A_64 : vector<1024x1024xi1>, vector<1024x1024xf32>
    %reduce_min3A_66 = arith.constant dense<0x7F800000> : vector<1024xf32>
    %reduce_min3A_67 = vector.multi_reduction <minimumf>, %select_n3A_65, %reduce_min3A_66 [0] : vector<1024x1024xf32> to vector<1024xf32>
    %convert_element_type3A_68 = arith.fptosi %reduce_min3A_67 : vector<1024xf32> to vector<1024xi32>
    %swap3A_69 = arith.constant 0 : index
    %swap3A_70 = arith.constant 1 : index
    %swap3A_71 = arith.constant 0 : index
    %swap3A_72 = vector.load %arg3[%swap3A_69, %swap3A_70, %swap3A_71] : memref<1x8x1024xi32, #tpu.memory_space<vmem>>, vector<1x1x1024xi32>
    %swap3A_73 = vector.shape_cast %swap3A_72 : vector<1x1x1024xi32> to vector<1024xi32>
    %swap3A_74 = vector.shape_cast %convert_element_type3A_68 : vector<1024xi32> to vector<1x1x1024xi32>
    tpu.vector_store %arg3[%swap3A_69, %swap3A_70, %swap3A_71], %swap3A_74 {strides = array<i32>} : memref<1x8x1024xi32, #tpu.memory_space<vmem>>, vector<1x1x1024xi32>,
    %reduce_sum3A_75 = vector.shape_cast %broadcast_in_dim3A_58 : vector<1x1024xf32> to vector<1x1x1024xf32>
    %reduce_sum3A_76 = arith.constant dense<0.000000e+00> : vector<1xf32>
    %reduce_sum3A_77 = vector.multi_reduction <add>, %reduce_sum3A_75, %reduce_sum3A_76 [1, 2] : vector<1x1x1024xf32> to vector<1xf32>
    %reduce_sum3A_78 = vector.shape_cast %reduce_sum3A_77 : vector<1xf32> to vector<1x1x1xf32>
    %reduce_sum3A_79 = vector.extract %reduce_sum3A_78[0, 0, 0] : f32 from vector<1x1x1xf32>
    %broadcast_in_dim3A_80 = vector.broadcast %reduce_sum3A_79 : f32 to vector<1x1xf32>
    %add3A_81 = arith.addf %broadcast_in_dim3A_39, %broadcast_in_dim3A_80 : vector<1x1xf32>
    %get3A_82 = arith.constant 0 : index
    %get3A_83 = arith.constant 2 : index
    %get3A_84 = arith.constant 0 : index
    %get3A_85 = arith.constant 0 : index
    %get3A_86 = vector.load %arg1[%get3A_82, %get3A_83, %get3A_84, %get3A_85] : memref<1x8x64x1024xf32, #tpu.memory_space<vmem>>, vector<1x1x64x1024xf32>
    %get3A_87 = vector.shape_cast %get3A_86 : vector<1x1x64x1024xf32> to vector<64x1024xf32>
    %dot_general3A_88 = arith.constant dense<0.000000e+00> : vector<1024x1024xf32>
    %dot_general3A_89 = tpu.matmul %mul3A_3, %get3A_87, %dot_general3A_88 {dimension_numbers = #tpu.dot_dimension_numbers<[1], [0], [0], [1], [0, 0, 1, 1], [], []>, transpose_lhs_hint = false} : vector<1024x64xf32>, vector<64x1024xf32>, vector<1024x1024xf32> -> vector<1024x1024xf32>
    %mul3A_90 = arith.mulf %get3A_87, %get3A_87 : vector<64x1024xf32>
    %reduce_sum3A_91 = arith.constant dense<0.000000e+00> : vector<1024xf32>
    %reduce_sum3A_92 = vector.multi_reduction <add>, %mul3A_90, %reduce_sum3A_91 [0] : vector<64x1024xf32> to vector<1024xf32>
    %broadcast_in_dim3A_93 = vector.shape_cast %reduce_sum3A_92 : vector<1024xf32> to vector<1x1024xf32>
    %add3A_94 = vector.broadcast %broadcast_in_dim3A_93 : vector<1x1024xf32> to vector<1024x1024xf32>
    %add3A_95 = vector.broadcast %broadcast_in_dim3A : vector<1024x1xf32> to vector<1024x1024xf32>
    %add3A_96 = arith.addf %add3A_94, %add3A_95 : vector<1024x1024xf32>
    %add3A_97 = arith.addf %add3A_96, %dot_general3A_89 : vector<1024x1024xf32>
    %reduce_min3A_98 = arith.constant dense<0x7F800000> : vector<1024xf32>
    %reduce_min3A_99 = vector.multi_reduction <minimumf>, %add3A_97, %reduce_min3A_98 [0] : vector<1024x1024xf32> to vector<1024xf32>
    %broadcast_in_dim3A_100 = vector.shape_cast %reduce_min3A_99 : vector<1024xf32> to vector<1x1024xf32>
    %eq3A_101 = vector.broadcast %broadcast_in_dim3A_100 : vector<1x1024xf32> to vector<1024x1024xf32>
    %eq3A_102 = arith.cmpf oeq, %add3A_97, %eq3A_101 : vector<1024x1024xf32>
    %jit3A_103 = arith.constant 1.024000e+03 : f32
    %broadcast_in_dim3A_104 = vector.shape_cast %convert_element_type3A : vector<1024x1xf32> to vector<1024x1xf32>
    %broadcast_in_dim3A_105 = vector.broadcast %broadcast_in_dim3A_104 : vector<1024x1xf32> to vector<1024x1024xf32>
    %broadcast_in_dim3A_106 = vector.broadcast %jit3A_103 : f32 to vector<1024x1024xf32>
    %select_n3A_107 = arith.select %eq3A_102, %broadcast_in_dim3A_105, %broadcast_in_dim3A_106 : vector<1024x1024xi1>, vector<1024x1024xf32>
    %reduce_min3A_108 = arith.constant dense<0x7F800000> : vector<1024xf32>
    %reduce_min3A_109 = vector.multi_reduction <minimumf>, %select_n3A_107, %reduce_min3A_108 [0] : vector<1024x1024xf32> to vector<1024xf32>
    %convert_element_type3A_110 = arith.fptosi %reduce_min3A_109 : vector<1024xf32> to vector<1024xi32>
    %swap3A_111 = arith.constant 0 : index
    %swap3A_112 = arith.constant 2 : index
    %swap3A_113 = arith.constant 0 : index
    %swap3A_114 = vector.load %arg3[%swap3A_111, %swap3A_112, %swap3A_113] : memref<1x8x1024xi32, #tpu.memory_space<vmem>>, vector<1x1x1024xi32>
    %swap3A_115 = vector.shape_cast %swap3A_114 : vector<1x1x1024xi32> to vector<1024xi32>
    %swap3A_116 = vector.shape_cast %convert_element_type3A_110 : vector<1024xi32> to vector<1x1x1024xi32>
    tpu.vector_store %arg3[%swap3A_111, %swap3A_112, %swap3A_113], %swap3A_116 {strides = array<i32>} : memref<1x8x1024xi32, #tpu.memory_space<vmem>>, vector<1x1x1024xi32>,
    %reduce_sum3A_117 = vector.shape_cast %broadcast_in_dim3A_100 : vector<1x1024xf32> to vector<1x1x1024xf32>
    %reduce_sum3A_118 = arith.constant dense<0.000000e+00> : vector<1xf32>
    %reduce_sum3A_119 = vector.multi_reduction <add>, %reduce_sum3A_117, %reduce_sum3A_118 [1, 2] : vector<1x1x1024xf32> to vector<1xf32>
    %reduce_sum3A_120 = vector.shape_cast %reduce_sum3A_119 : vector<1xf32> to vector<1x1x1xf32>
    %reduce_sum3A_121 = vector.extract %reduce_sum3A_120[0, 0, 0] : f32 from vector<1x1x1xf32>
    %broadcast_in_dim3A_122 = vector.broadcast %reduce_sum3A_121 : f32 to vector<1x1xf32>
    %add3A_123 = arith.addf %add3A_81, %broadcast_in_dim3A_122 : vector<1x1xf32>
    %get3A_124 = arith.constant 0 : index
    %get3A_125 = arith.constant 3 : index
    %get3A_126 = arith.constant 0 : index
    %get3A_127 = arith.constant 0 : index
    %get3A_128 = vector.load %arg1[%get3A_124, %get3A_125, %get3A_126, %get3A_127] : memref<1x8x64x1024xf32, #tpu.memory_space<vmem>>, vector<1x1x64x1024xf32>
    %get3A_129 = vector.shape_cast %get3A_128 : vector<1x1x64x1024xf32> to vector<64x1024xf32>
    %dot_general3A_130 = arith.constant dense<0.000000e+00> : vector<1024x1024xf32>
    %dot_general3A_131 = tpu.matmul %mul3A_3, %get3A_129, %dot_general3A_130 {dimension_numbers = #tpu.dot_dimension_numbers<[1], [0], [0], [1], [0, 0, 1, 1], [], []>, transpose_lhs_hint = false} : vector<1024x64xf32>, vector<64x1024xf32>, vector<1024x1024xf32> -> vector<1024x1024xf32>
    %mul3A_132 = arith.mulf %get3A_129, %get3A_129 : vector<64x1024xf32>
    %reduce_sum3A_133 = arith.constant dense<0.000000e+00> : vector<1024xf32>
    %reduce_sum3A_134 = vector.multi_reduction <add>, %mul3A_132, %reduce_sum3A_133 [0] : vector<64x1024xf32> to vector<1024xf32>
    %broadcast_in_dim3A_135 = vector.shape_cast %reduce_sum3A_134 : vector<1024xf32> to vector<1x1024xf32>
    %add3A_136 = vector.broadcast %broadcast_in_dim3A_135 : vector<1x1024xf32> to vector<1024x1024xf32>
    %add3A_137 = vector.broadcast %broadcast_in_dim3A : vector<1024x1xf32> to vector<1024x1024xf32>
    %add3A_138 = arith.addf %add3A_136, %add3A_137 : vector<1024x1024xf32>
    %add3A_139 = arith.addf %add3A_138, %dot_general3A_131 : vector<1024x1024xf32>
    %reduce_min3A_140 = arith.constant dense<0x7F800000> : vector<1024xf32>
    %reduce_min3A_141 = vector.multi_reduction <minimumf>, %add3A_139, %reduce_min3A_140 [0] : vector<1024x1024xf32> to vector<1024xf32>
    %broadcast_in_dim3A_142 = vector.shape_cast %reduce_min3A_141 : vector<1024xf32> to vector<1x1024xf32>
    %eq3A_143 = vector.broadcast %broadcast_in_dim3A_142 : vector<1x1024xf32> to vector<1024x1024xf32>
    %eq3A_144 = arith.cmpf oeq, %add3A_139, %eq3A_143 : vector<1024x1024xf32>
    %jit3A_145 = arith.constant 1.024000e+03 : f32
    %broadcast_in_dim3A_146 = vector.shape_cast %convert_element_type3A : vector<1024x1xf32> to vector<1024x1xf32>
    %broadcast_in_dim3A_147 = vector.broadcast %broadcast_in_dim3A_146 : vector<1024x1xf32> to vector<1024x1024xf32>
    %broadcast_in_dim3A_148 = vector.broadcast %jit3A_145 : f32 to vector<1024x1024xf32>
    %select_n3A_149 = arith.select %eq3A_144, %broadcast_in_dim3A_147, %broadcast_in_dim3A_148 : vector<1024x1024xi1>, vector<1024x1024xf32>
    %reduce_min3A_150 = arith.constant dense<0x7F800000> : vector<1024xf32>
    %reduce_min3A_151 = vector.multi_reduction <minimumf>, %select_n3A_149, %reduce_min3A_150 [0] : vector<1024x1024xf32> to vector<1024xf32>
    %convert_element_type3A_152 = arith.fptosi %reduce_min3A_151 : vector<1024xf32> to vector<1024xi32>
    %swap3A_153 = arith.constant 0 : index
    %swap3A_154 = arith.constant 3 : index
    %swap3A_155 = arith.constant 0 : index
    %swap3A_156 = vector.load %arg3[%swap3A_153, %swap3A_154, %swap3A_155] : memref<1x8x1024xi32, #tpu.memory_space<vmem>>, vector<1x1x1024xi32>
    %swap3A_157 = vector.shape_cast %swap3A_156 : vector<1x1x1024xi32> to vector<1024xi32>
    %swap3A_158 = vector.shape_cast %convert_element_type3A_152 : vector<1024xi32> to vector<1x1x1024xi32>
    tpu.vector_store %arg3[%swap3A_153, %swap3A_154, %swap3A_155], %swap3A_158 {strides = array<i32>} : memref<1x8x1024xi32, #tpu.memory_space<vmem>>, vector<1x1x1024xi32>,
    %reduce_sum3A_159 = vector.shape_cast %broadcast_in_dim3A_142 : vector<1x1024xf32> to vector<1x1x1024xf32>
    %reduce_sum3A_160 = arith.constant dense<0.000000e+00> : vector<1xf32>
    %reduce_sum3A_161 = vector.multi_reduction <add>, %reduce_sum3A_159, %reduce_sum3A_160 [1, 2] : vector<1x1x1024xf32> to vector<1xf32>
    %reduce_sum3A_162 = vector.shape_cast %reduce_sum3A_161 : vector<1xf32> to vector<1x1x1xf32>
    %reduce_sum3A_163 = vector.extract %reduce_sum3A_162[0, 0, 0] : f32 from vector<1x1x1xf32>
    %broadcast_in_dim3A_164 = vector.broadcast %reduce_sum3A_163 : f32 to vector<1x1xf32>
    %add3A_165 = arith.addf %add3A_123, %broadcast_in_dim3A_164 : vector<1x1xf32>
    %get3A_166 = arith.constant 0 : index
    %get3A_167 = arith.constant 4 : index
    %get3A_168 = arith.constant 0 : index
    %get3A_169 = arith.constant 0 : index
    %get3A_170 = vector.load %arg1[%get3A_166, %get3A_167, %get3A_168, %get3A_169] : memref<1x8x64x1024xf32, #tpu.memory_space<vmem>>, vector<1x1x64x1024xf32>
    %get3A_171 = vector.shape_cast %get3A_170 : vector<1x1x64x1024xf32> to vector<64x1024xf32>
    %dot_general3A_172 = arith.constant dense<0.000000e+00> : vector<1024x1024xf32>
    %dot_general3A_173 = tpu.matmul %mul3A_3, %get3A_171, %dot_general3A_172 {dimension_numbers = #tpu.dot_dimension_numbers<[1], [0], [0], [1], [0, 0, 1, 1], [], []>, transpose_lhs_hint = false} : vector<1024x64xf32>, vector<64x1024xf32>, vector<1024x1024xf32> -> vector<1024x1024xf32>
    %mul3A_174 = arith.mulf %get3A_171, %get3A_171 : vector<64x1024xf32>
    %reduce_sum3A_175 = arith.constant dense<0.000000e+00> : vector<1024xf32>
    %reduce_sum3A_176 = vector.multi_reduction <add>, %mul3A_174, %reduce_sum3A_175 [0] : vector<64x1024xf32> to vector<1024xf32>
    %broadcast_in_dim3A_177 = vector.shape_cast %reduce_sum3A_176 : vector<1024xf32> to vector<1x1024xf32>
    %add3A_178 = vector.broadcast %broadcast_in_dim3A_177 : vector<1x1024xf32> to vector<1024x1024xf32>
    %add3A_179 = vector.broadcast %broadcast_in_dim3A : vector<1024x1xf32> to vector<1024x1024xf32>
    %add3A_180 = arith.addf %add3A_178, %add3A_179 : vector<1024x1024xf32>
    %add3A_181 = arith.addf %add3A_180, %dot_general3A_173 : vector<1024x1024xf32>
    %reduce_min3A_182 = arith.constant dense<0x7F800000> : vector<1024xf32>
    %reduce_min3A_183 = vector.multi_reduction <minimumf>, %add3A_181, %reduce_min3A_182 [0] : vector<1024x1024xf32> to vector<1024xf32>
    %broadcast_in_dim3A_184 = vector.shape_cast %reduce_min3A_183 : vector<1024xf32> to vector<1x1024xf32>
    %eq3A_185 = vector.broadcast %broadcast_in_dim3A_184 : vector<1x1024xf32> to vector<1024x1024xf32>
    %eq3A_186 = arith.cmpf oeq, %add3A_181, %eq3A_185 : vector<1024x1024xf32>
    %jit3A_187 = arith.constant 1.024000e+03 : f32
    %broadcast_in_dim3A_188 = vector.shape_cast %convert_element_type3A : vector<1024x1xf32> to vector<1024x1xf32>
    %broadcast_in_dim3A_189 = vector.broadcast %broadcast_in_dim3A_188 : vector<1024x1xf32> to vector<1024x1024xf32>
    %broadcast_in_dim3A_190 = vector.broadcast %jit3A_187 : f32 to vector<1024x1024xf32>
    %select_n3A_191 = arith.select %eq3A_186, %broadcast_in_dim3A_189, %broadcast_in_dim3A_190 : vector<1024x1024xi1>, vector<1024x1024xf32>
    %reduce_min3A_192 = arith.constant dense<0x7F800000> : vector<1024xf32>
    %reduce_min3A_193 = vector.multi_reduction <minimumf>, %select_n3A_191, %reduce_min3A_192 [0] : vector<1024x1024xf32> to vector<1024xf32>
    %convert_element_type3A_194 = arith.fptosi %reduce_min3A_193 : vector<1024xf32> to vector<1024xi32>
    %swap3A_195 = arith.constant 0 : index
    %swap3A_196 = arith.constant 4 : index
    %swap3A_197 = arith.constant 0 : index
    %swap3A_198 = vector.load %arg3[%swap3A_195, %swap3A_196, %swap3A_197] : memref<1x8x1024xi32, #tpu.memory_space<vmem>>, vector<1x1x1024xi32>
    %swap3A_199 = vector.shape_cast %swap3A_198 : vector<1x1x1024xi32> to vector<1024xi32>
    %swap3A_200 = vector.shape_cast %convert_element_type3A_194 : vector<1024xi32> to vector<1x1x1024xi32>
    tpu.vector_store %arg3[%swap3A_195, %swap3A_196, %swap3A_197], %swap3A_200 {strides = array<i32>} : memref<1x8x1024xi32, #tpu.memory_space<vmem>>, vector<1x1x1024xi32>,
    %reduce_sum3A_201 = vector.shape_cast %broadcast_in_dim3A_184 : vector<1x1024xf32> to vector<1x1x1024xf32>
    %reduce_sum3A_202 = arith.constant dense<0.000000e+00> : vector<1xf32>
    %reduce_sum3A_203 = vector.multi_reduction <add>, %reduce_sum3A_201, %reduce_sum3A_202 [1, 2] : vector<1x1x1024xf32> to vector<1xf32>
    %reduce_sum3A_204 = vector.shape_cast %reduce_sum3A_203 : vector<1xf32> to vector<1x1x1xf32>
    %reduce_sum3A_205 = vector.extract %reduce_sum3A_204[0, 0, 0] : f32 from vector<1x1x1xf32>
    %broadcast_in_dim3A_206 = vector.broadcast %reduce_sum3A_205 : f32 to vector<1x1xf32>
    %add3A_207 = arith.addf %add3A_165, %broadcast_in_dim3A_206 : vector<1x1xf32>
    %get3A_208 = arith.constant 0 : index
    %get3A_209 = arith.constant 5 : index
    %get3A_210 = arith.constant 0 : index
    %get3A_211 = arith.constant 0 : index
    %get3A_212 = vector.load %arg1[%get3A_208, %get3A_209, %get3A_210, %get3A_211] : memref<1x8x64x1024xf32, #tpu.memory_space<vmem>>, vector<1x1x64x1024xf32>
    %get3A_213 = vector.shape_cast %get3A_212 : vector<1x1x64x1024xf32> to vector<64x1024xf32>
    %dot_general3A_214 = arith.constant dense<0.000000e+00> : vector<1024x1024xf32>
    %dot_general3A_215 = tpu.matmul %mul3A_3, %get3A_213, %dot_general3A_214 {dimension_numbers = #tpu.dot_dimension_numbers<[1], [0], [0], [1], [0, 0, 1, 1], [], []>, transpose_lhs_hint = false} : vector<1024x64xf32>, vector<64x1024xf32>, vector<1024x1024xf32> -> vector<1024x1024xf32>
    %mul3A_216 = arith.mulf %get3A_213, %get3A_213 : vector<64x1024xf32>
    %reduce_sum3A_217 = arith.constant dense<0.000000e+00> : vector<1024xf32>
    %reduce_sum3A_218 = vector.multi_reduction <add>, %mul3A_216, %reduce_sum3A_217 [0] : vector<64x1024xf32> to vector<1024xf32>
    %broadcast_in_dim3A_219 = vector.shape_cast %reduce_sum3A_218 : vector<1024xf32> to vector<1x1024xf32>
    %add3A_220 = vector.broadcast %broadcast_in_dim3A_219 : vector<1x1024xf32> to vector<1024x1024xf32>
    %add3A_221 = vector.broadcast %broadcast_in_dim3A : vector<1024x1xf32> to vector<1024x1024xf32>
    %add3A_222 = arith.addf %add3A_220, %add3A_221 : vector<1024x1024xf32>
    %add3A_223 = arith.addf %add3A_222, %dot_general3A_215 : vector<1024x1024xf32>
    %reduce_min3A_224 = arith.constant dense<0x7F800000> : vector<1024xf32>
    %reduce_min3A_225 = vector.multi_reduction <minimumf>, %add3A_223, %reduce_min3A_224 [0] : vector<1024x1024xf32> to vector<1024xf32>
    %broadcast_in_dim3A_226 = vector.shape_cast %reduce_min3A_225 : vector<1024xf32> to vector<1x1024xf32>
    %eq3A_227 = vector.broadcast %broadcast_in_dim3A_226 : vector<1x1024xf32> to vector<1024x1024xf32>
    %eq3A_228 = arith.cmpf oeq, %add3A_223, %eq3A_227 : vector<1024x1024xf32>
    %jit3A_229 = arith.constant 1.024000e+03 : f32
    %broadcast_in_dim3A_230 = vector.shape_cast %convert_element_type3A : vector<1024x1xf32> to vector<1024x1xf32>
    %broadcast_in_dim3A_231 = vector.broadcast %broadcast_in_dim3A_230 : vector<1024x1xf32> to vector<1024x1024xf32>
    %broadcast_in_dim3A_232 = vector.broadcast %jit3A_229 : f32 to vector<1024x1024xf32>
    %select_n3A_233 = arith.select %eq3A_228, %broadcast_in_dim3A_231, %broadcast_in_dim3A_232 : vector<1024x1024xi1>, vector<1024x1024xf32>
    %reduce_min3A_234 = arith.constant dense<0x7F800000> : vector<1024xf32>
    %reduce_min3A_235 = vector.multi_reduction <minimumf>, %select_n3A_233, %reduce_min3A_234 [0] : vector<1024x1024xf32> to vector<1024xf32>
    %convert_element_type3A_236 = arith.fptosi %reduce_min3A_235 : vector<1024xf32> to vector<1024xi32>
    %swap3A_237 = arith.constant 0 : index
    %swap3A_238 = arith.constant 5 : index
    %swap3A_239 = arith.constant 0 : index
    %swap3A_240 = vector.load %arg3[%swap3A_237, %swap3A_238, %swap3A_239] : memref<1x8x1024xi32, #tpu.memory_space<vmem>>, vector<1x1x1024xi32>
    %swap3A_241 = vector.shape_cast %swap3A_240 : vector<1x1x1024xi32> to vector<1024xi32>
    %swap3A_242 = vector.shape_cast %convert_element_type3A_236 : vector<1024xi32> to vector<1x1x1024xi32>
    tpu.vector_store %arg3[%swap3A_237, %swap3A_238, %swap3A_239], %swap3A_242 {strides = array<i32>} : memref<1x8x1024xi32, #tpu.memory_space<vmem>>, vector<1x1x1024xi32>,
    %reduce_sum3A_243 = vector.shape_cast %broadcast_in_dim3A_226 : vector<1x1024xf32> to vector<1x1x1024xf32>
    %reduce_sum3A_244 = arith.constant dense<0.000000e+00> : vector<1xf32>
    %reduce_sum3A_245 = vector.multi_reduction <add>, %reduce_sum3A_243, %reduce_sum3A_244 [1, 2] : vector<1x1x1024xf32> to vector<1xf32>
    %reduce_sum3A_246 = vector.shape_cast %reduce_sum3A_245 : vector<1xf32> to vector<1x1x1xf32>
    %reduce_sum3A_247 = vector.extract %reduce_sum3A_246[0, 0, 0] : f32 from vector<1x1x1xf32>
    %broadcast_in_dim3A_248 = vector.broadcast %reduce_sum3A_247 : f32 to vector<1x1xf32>
    %add3A_249 = arith.addf %add3A_207, %broadcast_in_dim3A_248 : vector<1x1xf32>
    %get3A_250 = arith.constant 0 : index
    %get3A_251 = arith.constant 6 : index
    %get3A_252 = arith.constant 0 : index
    %get3A_253 = arith.constant 0 : index
    %get3A_254 = vector.load %arg1[%get3A_250, %get3A_251, %get3A_252, %get3A_253] : memref<1x8x64x1024xf32, #tpu.memory_space<vmem>>, vector<1x1x64x1024xf32>
    %get3A_255 = vector.shape_cast %get3A_254 : vector<1x1x64x1024xf32> to vector<64x1024xf32>
    %dot_general3A_256 = arith.constant dense<0.000000e+00> : vector<1024x1024xf32>
    %dot_general3A_257 = tpu.matmul %mul3A_3, %get3A_255, %dot_general3A_256 {dimension_numbers = #tpu.dot_dimension_numbers<[1], [0], [0], [1], [0, 0, 1, 1], [], []>, transpose_lhs_hint = false} : vector<1024x64xf32>, vector<64x1024xf32>, vector<1024x1024xf32> -> vector<1024x1024xf32>
    %mul3A_258 = arith.mulf %get3A_255, %get3A_255 : vector<64x1024xf32>
    %reduce_sum3A_259 = arith.constant dense<0.000000e+00> : vector<1024xf32>
    %reduce_sum3A_260 = vector.multi_reduction <add>, %mul3A_258, %reduce_sum3A_259 [0] : vector<64x1024xf32> to vector<1024xf32>
    %broadcast_in_dim3A_261 = vector.shape_cast %reduce_sum3A_260 : vector<1024xf32> to vector<1x1024xf32>
    %add3A_262 = vector.broadcast %broadcast_in_dim3A_261 : vector<1x1024xf32> to vector<1024x1024xf32>
    %add3A_263 = vector.broadcast %broadcast_in_dim3A : vector<1024x1xf32> to vector<1024x1024xf32>
    %add3A_264 = arith.addf %add3A_262, %add3A_263 : vector<1024x1024xf32>
    %add3A_265 = arith.addf %add3A_264, %dot_general3A_257 : vector<1024x1024xf32>
    %reduce_min3A_266 = arith.constant dense<0x7F800000> : vector<1024xf32>
    %reduce_min3A_267 = vector.multi_reduction <minimumf>, %add3A_265, %reduce_min3A_266 [0] : vector<1024x1024xf32> to vector<1024xf32>
    %broadcast_in_dim3A_268 = vector.shape_cast %reduce_min3A_267 : vector<1024xf32> to vector<1x1024xf32>
    %eq3A_269 = vector.broadcast %broadcast_in_dim3A_268 : vector<1x1024xf32> to vector<1024x1024xf32>
    %eq3A_270 = arith.cmpf oeq, %add3A_265, %eq3A_269 : vector<1024x1024xf32>
    %jit3A_271 = arith.constant 1.024000e+03 : f32
    %broadcast_in_dim3A_272 = vector.shape_cast %convert_element_type3A : vector<1024x1xf32> to vector<1024x1xf32>
    %broadcast_in_dim3A_273 = vector.broadcast %broadcast_in_dim3A_272 : vector<1024x1xf32> to vector<1024x1024xf32>
    %broadcast_in_dim3A_274 = vector.broadcast %jit3A_271 : f32 to vector<1024x1024xf32>
    %select_n3A_275 = arith.select %eq3A_270, %broadcast_in_dim3A_273, %broadcast_in_dim3A_274 : vector<1024x1024xi1>, vector<1024x1024xf32>
    %reduce_min3A_276 = arith.constant dense<0x7F800000> : vector<1024xf32>
    %reduce_min3A_277 = vector.multi_reduction <minimumf>, %select_n3A_275, %reduce_min3A_276 [0] : vector<1024x1024xf32> to vector<1024xf32>
    %convert_element_type3A_278 = arith.fptosi %reduce_min3A_277 : vector<1024xf32> to vector<1024xi32>
    %swap3A_279 = arith.constant 0 : index
    %swap3A_280 = arith.constant 6 : index
    %swap3A_281 = arith.constant 0 : index
    %swap3A_282 = vector.load %arg3[%swap3A_279, %swap3A_280, %swap3A_281] : memref<1x8x1024xi32, #tpu.memory_space<vmem>>, vector<1x1x1024xi32>
    %swap3A_283 = vector.shape_cast %swap3A_282 : vector<1x1x1024xi32> to vector<1024xi32>
    %swap3A_284 = vector.shape_cast %convert_element_type3A_278 : vector<1024xi32> to vector<1x1x1024xi32>
    tpu.vector_store %arg3[%swap3A_279, %swap3A_280, %swap3A_281], %swap3A_284 {strides = array<i32>} : memref<1x8x1024xi32, #tpu.memory_space<vmem>>, vector<1x1x1024xi32>,
    %reduce_sum3A_285 = vector.shape_cast %broadcast_in_dim3A_268 : vector<1x1024xf32> to vector<1x1x1024xf32>
    %reduce_sum3A_286 = arith.constant dense<0.000000e+00> : vector<1xf32>
    %reduce_sum3A_287 = vector.multi_reduction <add>, %reduce_sum3A_285, %reduce_sum3A_286 [1, 2] : vector<1x1x1024xf32> to vector<1xf32>
    %reduce_sum3A_288 = vector.shape_cast %reduce_sum3A_287 : vector<1xf32> to vector<1x1x1xf32>
    %reduce_sum3A_289 = vector.extract %reduce_sum3A_288[0, 0, 0] : f32 from vector<1x1x1xf32>
    %broadcast_in_dim3A_290 = vector.broadcast %reduce_sum3A_289 : f32 to vector<1x1xf32>
    %add3A_291 = arith.addf %add3A_249, %broadcast_in_dim3A_290 : vector<1x1xf32>
    %get3A_292 = arith.constant 0 : index
    %get3A_293 = arith.constant 7 : index
    %get3A_294 = arith.constant 0 : index
    %get3A_295 = arith.constant 0 : index
    %get3A_296 = vector.load %arg1[%get3A_292, %get3A_293, %get3A_294, %get3A_295] : memref<1x8x64x1024xf32, #tpu.memory_space<vmem>>, vector<1x1x64x1024xf32>
    %get3A_297 = vector.shape_cast %get3A_296 : vector<1x1x64x1024xf32> to vector<64x1024xf32>
    %dot_general3A_298 = arith.constant dense<0.000000e+00> : vector<1024x1024xf32>
    %dot_general3A_299 = tpu.matmul %mul3A_3, %get3A_297, %dot_general3A_298 {dimension_numbers = #tpu.dot_dimension_numbers<[1], [0], [0], [1], [0, 0, 1, 1], [], []>, transpose_lhs_hint = false} : vector<1024x64xf32>, vector<64x1024xf32>, vector<1024x1024xf32> -> vector<1024x1024xf32>
    %mul3A_300 = arith.mulf %get3A_297, %get3A_297 : vector<64x1024xf32>
    %reduce_sum3A_301 = arith.constant dense<0.000000e+00> : vector<1024xf32>
    %reduce_sum3A_302 = vector.multi_reduction <add>, %mul3A_300, %reduce_sum3A_301 [0] : vector<64x1024xf32> to vector<1024xf32>
    %broadcast_in_dim3A_303 = vector.shape_cast %reduce_sum3A_302 : vector<1024xf32> to vector<1x1024xf32>
    %add3A_304 = vector.broadcast %broadcast_in_dim3A_303 : vector<1x1024xf32> to vector<1024x1024xf32>
    %add3A_305 = vector.broadcast %broadcast_in_dim3A : vector<1024x1xf32> to vector<1024x1024xf32>
    %add3A_306 = arith.addf %add3A_304, %add3A_305 : vector<1024x1024xf32>
    %add3A_307 = arith.addf %add3A_306, %dot_general3A_299 : vector<1024x1024xf32>
    %reduce_min3A_308 = arith.constant dense<0x7F800000> : vector<1024xf32>
    %reduce_min3A_309 = vector.multi_reduction <minimumf>, %add3A_307, %reduce_min3A_308 [0] : vector<1024x1024xf32> to vector<1024xf32>
    %broadcast_in_dim3A_310 = vector.shape_cast %reduce_min3A_309 : vector<1024xf32> to vector<1x1024xf32>
    %eq3A_311 = vector.broadcast %broadcast_in_dim3A_310 : vector<1x1024xf32> to vector<1024x1024xf32>
    %eq3A_312 = arith.cmpf oeq, %add3A_307, %eq3A_311 : vector<1024x1024xf32>
    %jit3A_313 = arith.constant 1.024000e+03 : f32
    %broadcast_in_dim3A_314 = vector.shape_cast %convert_element_type3A : vector<1024x1xf32> to vector<1024x1xf32>
    %broadcast_in_dim3A_315 = vector.broadcast %broadcast_in_dim3A_314 : vector<1024x1xf32> to vector<1024x1024xf32>
    %broadcast_in_dim3A_316 = vector.broadcast %jit3A_313 : f32 to vector<1024x1024xf32>
    %select_n3A_317 = arith.select %eq3A_312, %broadcast_in_dim3A_315, %broadcast_in_dim3A_316 : vector<1024x1024xi1>, vector<1024x1024xf32>
    %reduce_min3A_318 = arith.constant dense<0x7F800000> : vector<1024xf32>
    %reduce_min3A_319 = vector.multi_reduction <minimumf>, %select_n3A_317, %reduce_min3A_318 [0] : vector<1024x1024xf32> to vector<1024xf32>
    %convert_element_type3A_320 = arith.fptosi %reduce_min3A_319 : vector<1024xf32> to vector<1024xi32>
    %swap3A_321 = arith.constant 0 : index
    %swap3A_322 = arith.constant 7 : index
    %swap3A_323 = arith.constant 0 : index
    %swap3A_324 = vector.load %arg3[%swap3A_321, %swap3A_322, %swap3A_323] : memref<1x8x1024xi32, #tpu.memory_space<vmem>>, vector<1x1x1024xi32>
    %swap3A_325 = vector.shape_cast %swap3A_324 : vector<1x1x1024xi32> to vector<1024xi32>
    %swap3A_326 = vector.shape_cast %convert_element_type3A_320 : vector<1024xi32> to vector<1x1x1024xi32>
    tpu.vector_store %arg3[%swap3A_321, %swap3A_322, %swap3A_323], %swap3A_326 {strides = array<i32>} : memref<1x8x1024xi32, #tpu.memory_space<vmem>>, vector<1x1x1024xi32>,
    %reduce_sum3A_327 = vector.shape_cast %broadcast_in_dim3A_310 : vector<1x1024xf32> to vector<1x1x1024xf32>
    %reduce_sum3A_328 = arith.constant dense<0.000000e+00> : vector<1xf32>
    %reduce_sum3A_329 = vector.multi_reduction <add>, %reduce_sum3A_327, %reduce_sum3A_328 [1, 2] : vector<1x1x1024xf32> to vector<1xf32>
    %reduce_sum3A_330 = vector.shape_cast %reduce_sum3A_329 : vector<1xf32> to vector<1x1x1xf32>
    %reduce_sum3A_331 = vector.extract %reduce_sum3A_330[0, 0, 0] : f32 from vector<1x1x1xf32>
    %broadcast_in_dim3A_332 = vector.broadcast %reduce_sum3A_331 : f32 to vector<1x1xf32>
    %add3A_333 = arith.addf %add3A_291, %broadcast_in_dim3A_332 : vector<1x1xf32>
    %swap3A_334 = arith.constant 0 : index
    %swap3A_335 = arith.constant 0 : index
    %swap3A_336 = arith.constant 0 : index
    %swap3A_337 = vector.load %arg4[%swap3A_334, %swap3A_335, %swap3A_336] : memref<1x1x1xf32, #tpu.memory_space<vmem>>, vector<1x1x1xf32>
    %swap3A_338 = vector.shape_cast %swap3A_337 : vector<1x1x1xf32> to vector<1x1xf32>
    %swap3A_339 = vector.shape_cast %add3A_333 : vector<1x1xf32> to vector<1x1x1xf32>
    tpu.vector_store %arg4[%swap3A_334, %swap3A_335, %swap3A_336], %swap3A_339 {strides = array<i32>} : memref<1x1x1xf32, #tpu.memory_space<vmem>>, vector<1x1x1xf32>,
    return
  }
  func.func @transform_0(%arg0: i32) -> (i32, i32, i32, i32) {
    %c0_i32 = arith.constant 0 : i32
    %c0_i32_0 = arith.constant 0 : i32
    %c0_i32_1 = arith.constant 0 : i32
    %c0_i32_2 = arith.constant 0 : i32
    return %arg0, %c0_i32, %c0_i32_0, %c0_i32_1 : i32, i32, i32, i32
  }
  func.func @transform_1(%arg0: i32) -> (i32, i32) {
    %c0_i32 = arith.constant 0 : i32
    %c0_i32_0 = arith.constant 0 : i32
    %c0_i32_1 = arith.constant 0 : i32
    return %c0_i32, %c0_i32_0 : i32, i32
  }
  func.func @transform_2(%arg0: i32) -> (i32, i32, i32) {
    %c0_i32 = arith.constant 0 : i32
    %c0_i32_0 = arith.constant 0 : i32
    %c0_i32_1 = arith.constant 0 : i32
    return %arg0, %c0_i32, %c0_i32_0 : i32, i32, i32
  }
  func.func @transform_3(%arg0: i32) -> (i32, i32, i32) {
    %c0_i32 = arith.constant 0 : i32
    %c0_i32_0 = arith.constant 0 : i32
    %c0_i32_1 = arith.constant 0 : i32
    return %arg0, %c0_i32, %c0_i32_0 : i32, i32, i32
  }
}

</mosaic_0001>

<sc_bundles>
// kernel: kernel.4.cloned.1.call-start
scs
__scs_entry_jumppad:
0x0: {  	(pc) =	sbr.rel $0x88, $3  }
0x1: {  	(tag) =	ssettag $0x0;
	lr =	simm.s32 $0x1  }
0x2: {  	[smem:$0x3F9F] =	sst lr;
	_ =	strace $0xD0000000  }
0x3: {  	_ = 	snop  }
0x4: {  	_ = 	snop  }
0x5: {  	_ = 	snop  }
0x6: {  	_ = 	snop  }
0x7: {  	_ = 	snop  }
__scs_overlays_trampoline_lowered:
0x8: {  	[smem:$0x3FAE] =	sst s0  }
0x9: {  	[smem:$0x3FAF] =	sst s1  }
0xa: {  	[smem:$0x3FB0] =	sst s2  }
0xb: {  	[smem:$0x3FB1] =	sst s3  }
0xc: {  	[smem:$0x3FB2] =	sst s4  }
0xd: {  	[smem:$0x3FB3] =	sst s5  }
0xe: {  	[smem:$0x3FB4] =	sst s6  }
0xf: {  	[smem:$0x3FB5] =	sst s7  }
0x10: {  	[smem:$0x3FB6] =	sst s8  }
0x11: {  	[smem:$0x3FB7] =	sst s9;
	s0 =	simm.s32 @!p0 $0x0  }
0x12: {  	s1 =	sld [smem:$0x3F9D];
	s0 =	simm.s32 @p0 $0x1  }
0x13: {  	[smem:$0x3FB8] =	sst s0;
	s0 =	simm.s32 @!p1 $0x0  }
0x14: {  	s2 =	sld [smem:$0x3F9C];
	s0 =	simm.s32 @p1 $0x1  }
0x15: {  	[smem:$0x3FB9] =	sst s0;
	s0 =	simm.s32 @!p2 $0x0  }
0x16: {  	s3 =	sld [smem:$0x3FDB];
	s0 =	simm.s32 @p2 $0x1  }
0x17: {  	s4 =	simm.s32 $0x1BF5;
	[smem:$0x3FBB] =	sst s0  }
0x18: {  	s0 =	sld [smem:$0x3F9E];
	_ =	swait.ge [sflag:s4], $0x0  }
0x19: {  	s7 =	sld [smem:$0x3F9F]  }
0x1a: {  	s8 =	sadd.s32 $0xFFFFE003, lr  }
0x1b: {  	s9 =	sadd.s32 $0xFFFFFEF7, lr;
	s5 =	simm.s32 $0xFFFFFFFF;
	p2 =	slt.u32 s8, $0xFFFFF086  }
0x1c: {  	p1 =	slt.u32 s9, $0xF7A;
	s5 =	simm.s32 @!p2 $0x0  }
0x1d: {  	s5 =	simm.s32 @p1 $0x1;
	p0 =	seq.s32 s7, s2  }
0x1e: {  	s7 =	smul.u32 @!p0 $0xF7A, s2;
	p2 =	seq.s32 @!p0 s5, $0x0  }
0x1f: {  	s9 =	smul.u32 $0xF7A, s1;
	s8 =	simm.s32 @!p0 $0x1BF5;
	p2 =	por !p2, p0  }
0x20: {  	[sflag:s8] =	ssyncset.s32 @!p0 $0xFFFFF086;
	s6 =	sadd.s32 @!p0 s3, s7;
	s7 =	simm.s32 @!p0 $0x108  }
0x21: {  	s3 =	sadd.s32 s3, s9;
	s6 =	sadd.s32 @!p0 $0x88, s6;
	s7 =	simm.s32 @p2 $0x1082  }
0x22: {  	[simem:s7], [sflag:s8] =	dma.local @!p0 [hbm:s6], $0xF7A  }
0x23: {  	s9 =	sor.u32 $0xD0000000, s2;
	s6 =	simm.s32 $0x108;
	_ =	swait.ge @!p0 [sflag:s8], $0x0  }
0x24: {  	s3 =	sadd.s32 $0x88, s3;
	s6 =	simm.s32 @!p1 $0x1082;
	[sflag:s4] =	ssyncset.s32 $0xFFFFF086  }
0x25: {  	[simem:s6], [sflag:s4] =	dma.local [hbm:s3], $0xF7A  }
0x26: {  	[smem:$0x3F9F] =	sst s1;
	(tag) =	ssettag s2;
	_ =	strace s9  }
0x27: {  	s1 =	sld [smem:$0x3FAF]  }
0x28: {  	s2 =	sld [smem:$0x3FB0]  }
0x29: {  	s4 =	sld [smem:$0x3FB2]  }
0x2a: {  	p0 =	seq.s32 s5, $0x0;
	s5 =	sld [smem:$0x3FB3]  }
0x2b: {  	s6 =	sld [smem:$0x3FB4]  }
0x2c: {  	s7 =	sld [smem:$0x3FB5]  }
0x2d: {  	s3 =	simm.s32 $0x108;
	s8 =	sld [smem:$0x3FB6]  }
0x2e: {  	s3 =	simm.s32 @!p0 $0x1082;
	s9 =	sld [smem:$0x3FB7]  }
0x2f: {  	lr =	sadd.s32 s0, s3;
	s0 =	sld [smem:$0x3FAE]  }
0x30: {  	s3 =	sld [smem:$0x3FB1]  }
0x31: {  	[smem:$0x3FBA] =	sst s10  }
0x32: {  	s10 =	sld [smem:$0x3FB8];
	_ =	sdelay $0x3  }
0x33: {  	p0 =	seq.s32 s10, $0x1;
	s10 =	sld [smem:$0x3FBA];
	_ =	sdelay $0x3  }
0x34: {  	[smem:$0x3FBA] =	sst s10  }
0x35: {  	s10 =	sld [smem:$0x3FB9];
	_ =	sdelay $0x3  }
0x36: {  	p1 =	seq.s32 s10, $0x1;
	s10 =	sld [smem:$0x3FBA];
	_ =	sdelay $0x3  }
0x37: {  	[smem:$0x3FBA] =	sst s10  }
0x38: {  	s10 =	sld [smem:$0x3FBB]  }
0x39: {  	_ = 	snop;
	(pc) =	sbr.ind lr, $3  }
0x3a: {  	_ = 	snop  }
0x3b: {  	_ = 	snop  }
0x3c: {  	p2 =	seq.s32 s10, $0x1;
	s10 =	sld [smem:$0x3FBA]  }
0x3d: {  	_ =	shalt  }
0x3e: {  	_ =	shalt  }
0x3f: {  	_ =	shalt  }
0x40: {  	_ =	shalt  }
0x41: {  	_ =	shalt  }
0x42: {  	_ =	shalt  }
0x43: {  	_ =	shalt  }
0x44: {  	_ =	shalt  }
0x45: {  	_ =	shalt  }
0x46: {  	_ =	shalt  }
0x47: {  	_ =	shalt  }
0x48: {  	_ =	shalt  }
0x49: {  	_ =	shalt  }
0x4a: {  	_ =	shalt  }
0x4b: {  	_ =	shalt  }
0x4c: {  	_ =	shalt  }
0x4d: {  	_ =	shalt  }
0x4e: {  	_ =	shalt  }
0x4f: {  	_ =	shalt  }
0x50: {  	_ =	shalt  }
0x51: {  	_ =	shalt  }
0x52: {  	_ =	shalt  }
0x53: {  	_ =	shalt  }
0x54: {  	_ =	shalt  }
0x55: {  	_ =	shalt  }
0x56: {  	_ =	shalt  }
0x57: {  	_ =	shalt  }
0x58: {  	_ =	shalt  }
0x59: {  	_ =	shalt  }
0x5a: {  	_ =	shalt  }
0x5b: {  	_ =	shalt  }
0x5c: {  	_ =	shalt  }
0x5d: {  	_ =	shalt  }
0x5e: {  	_ =	shalt  }
0x5f: {  	_ =	shalt  }
0x60: {  	_ =	shalt  }
0x61: {  	_ =	shalt  }
0x62: {  	_ =	shalt  }
0x63: {  	_ =	shalt  }
0x64: {  	_ =	shalt  }
0x65: {  	_ =	shalt  }
0x66: {  	_ =	shalt  }
0x67: {  	_ =	shalt  }
0x68: {  	_ =	shalt  }
0x69: {  	_ =	shalt  }
0x6a: {  	_ =	shalt  }
0x6b: {  	_ =	shalt  }
0x6c: {  	_ =	shalt  }
0x6d: {  	_ =	shalt  }
0x6e: {  	_ =	shalt  }
0x6f: {  	_ =	shalt  }
0x70: {  	_ =	shalt  }
0x71: {  	_ =	shalt  }
0x72: {  	_ =	shalt  }
0x73: {  	_ =	shalt  }
0x74: {  	_ =	shalt  }
0x75: {  	_ =	shalt  }
0x76: {  	_ =	shalt  }
0x77: {  	_ =	shalt  }
0x78: {  	_ =	shalt  }
0x79: {  	_ =	shalt  }
0x7a: {  	_ =	shalt  }
0x7b: {  	_ =	shalt  }
0x7c: {  	_ =	shalt  }
0x7d: {  	_ =	shalt  }
0x7e: {  	_ =	shalt  }
0x7f: {  	_ =	shalt  }
0x80: {  	_ =	shalt  }
0x81: {  	_ =	shalt  }
0x82: {  	_ =	shalt  }
0x83: {  	_ =	shalt  }
0x84: {  	_ =	shalt  }
0x85: {  	_ =	shalt  }
0x86: {  	_ =	shalt  }
0x87: {  	_ =	shalt  }
.Lfunc_end0:
.L_simem_size_0:
called_computation_lowered:
.L_overlay_start_0:
0x88: {  	s2 =	sld [smem:$0x3FD9]  }
0x89: {  	s3 =	sld [smem:$0x3FFE];
	_ =	sdelay $0x1  }
0x8a: {  	s1 =	srdreg.scid  }
0x8b: {  	s0 =	sand.u32 $0x1, s1  }
0x8c: {  	s14 =	sshll.u32 s0, $0xA;
	s2 =	sadd.s32 s3, s2  }
0x8d: {  	s2 =	sadd.s32 s2, s14  }
0x8e: {  	[smem:$0x3FC6] =	sst s2  }
0x8f: {  	_ = 	snop  }
0x90: {  	s2 =	sld [smem:$0x3FD0];
	_ =	sdelay $0x2  }
0x91: {  	s15 =	simm.s32 $0xA;
	s4 =	simm.s32 $0x10  }
0x92: {  	[smem:s4], [sflag:s15] =	dma.local [hbm:s2], $0x1  }
0x93: {  	_ =	swait.eq [sflag:s15], $0x1  }
0x94: {  	[sflag:s15] =	ssyncset.done $0x0  }
0x95: {  	[sflag:s15] =	ssyncadd.s32 $0xFFFFFFFF  }
0x96: {  	s16 =	sld [smem:$0x10];
	(tm) =	ssettm $0x1  }
0x97: {  	s17 =	sld [smem:$0x3FFB];
	_ =	sdelay $0x3  }
0x98: {  	_ =	strace s17  }
0x99: {  	s3 =	sld [smem:$0x3FFC];
	_ =	sdelay $0x3  }
0x9a: {  	_ =	strace s3  }
0x9b: {  	s3 =	sld [smem:$0x3FFD];
	_ =	sdelay $0x3  }
0x9c: {  	_ =	strace s3  }
0x9d: {  	_ =	strace $0x8FFFFFFF  }
0x9e: {  	s18 =	sld [smem:$0x3FDB];
	_ =	sdelay $0x1  }
0x9f: {  	s19 =	simm.s32 $_scs_section_size  }
0xa0: {  	s5 =	simm.s32 $_size__tile_overlayer_lowered;
	s6 =	simm.s32 $_tile_overlayer_lowered  }
0xa1: {  	s22 =	simm.s32 $0x1BFF;
	s21 =	sshll.u32 s6, $0x1;
	s3 =	sadd.s32 s19, s18  }
0xa2: {  	s7 =	simm.s32 $0x0;
	s20 =	sshll.u32 s5, $0x1;
	s5 =	sadd.s32 s21, s3  }
0xa3: {  	[timem:s7], [sflag:s22] =	dma.local [hbm:s5], s20  }
0xa4: {  	_ =	swait.ge [sflag:s22], s20  }
0xa5: {  	s4 =	ssub.s32 $0x0, s20;
	[sflag:s22] =	ssyncset.done $0x0  }
0xa6: {  	[sflag:s22] =	ssyncadd.s32 s4;
	_ =	sdelay $0x1  }
0xa7: {  	s23 =	simm.s32 $0x1B8B  }
0xa8: {  	_ =	swait.ge [sflag:s23], $0x1  }
0xa9: {  	[sflag:s23] =	ssyncset.done $0x0  }
0xaa: {  	s25 =	simm.s32 $0x1B8E;
	s24 =	sld [smem:$0x3FFE];
	[sflag:s23] =	ssyncadd.s32 $0xFFFFFFFF  }
0xab: {  	s26 =	simm.s32 $execute0_lowered;
	[smem:$0x3FD2] =	sst s25  }
0xac: {  	s5 =	sshll.u32 s26, $0x1;
	_ =	strace $0x80000046;
	[dreg:$0x1] =	wrdreg $0xFFFFFFFF  }
0xad: {  	s28 =	simm.s32 $_size_execute0_lowered;
	s3 =	sadd.s32 s3, s5;
	[dreg:$0x0] =	wrdreg $0x0  }
0xae: {  	s5 =	sshll.u32 s28, $0x1;
	[dreg:$0x2] =	wrdreg s3  }
0xaf: {  	[dreg:$0x3] =	wrdreg s5  }
0xb0: {  	[dreg:$0x4] =	wrdreg $0xC0  }
0xb1: {  	_ =	task [dreg:s7], $0x5FFFF  }
0xb2: {  	[dreg:$0x1] =	wrdreg $0xFFFFFFFF  }
0xb3: {  	[dreg:$0x0] =	wrdreg $0x60  }
0xb4: {  	[dreg:$0x2] =	wrdreg s24  }
0xb5: {  	[dreg:$0x3] =	wrdreg s16  }
0xb6: {  	[dreg:$0x4] =	wrdreg $0x9  }
0xb7: {  	_ =	task.clear_ibuf [dreg:s7], $0x5FFFF;
	_ =	strace $0x90000046  }
0xb8: {  	s29 =	simm.s32 $0x9;
	_ =	strace $0x80000048  }
0xb9: {  	_ =	swait.ge [sflag:s29], $0x1  }
0xba: {  	[sflag:s29] =	ssyncadd.s32 $0xFFFFFFFF  }
0xbb: {  	_ =	strace $0x90000048  }
0xbc: {  	_ =	sfence  }
0xbd: {  	s30 =	sld [smem:$0x0];
	_ =	sdelay $0x2  }
0xbe: {  	s31 =	sshll.u32 s1, $0xD;
	s1 =	sshrl.u32 s1, $0x2  }
0xbf: {  	s3 =	sand.u32 $0x4000, s31;
	s1 =	sadd.s32 s1, s30  }
0xc0: {  	s0 =	sor.u32 s3, s0;
	s1 =	sshll.u32 s1, $0x11  }
0xc1: {  	s0 =	sor.u32 s1, s0  }
0xc2: {  	s0 =	sadd.s32 $0x8F2B, s0  }
0xc3: {  	[sflag:s0] =	ssyncadd.remote.s32 $0x1  }
0xc4: {  	_ =	sfence.sel $0xFFFF  }
0xc5: {  	[dreg:$0x0] =	wrdreg $0xFFFFFFFF;
	(pc) =	sbr.abs _section_cstart, $3  }
0xc6: {  	[dreg:$0x1] =	wrdreg $0xFFFFFFFF  }
0xc7: {  	_ =	task.clear_ibuf [dreg:s7], $0x2FFFF;
	_ =	strace $0x9FFFFFFF  }
0xc8: {  	(tm) =	ssettm $0x7FFFFFFF  }
0xc9: {  	_ =	shalt  }
tec
execute0_lowered:
.L_overlay_start_1:
0x0: {  	(tag) =	ssettag $0x1  }
0x1: {  	s1 =	srdreg.scid  }
0x2: {  	s4 =	sand.u32 $0x1, s1  }
0x3: {  	s8 =	ssub.s32 $0x2, s4  }
0x4: {  	s3 =	rddreg [dreg:$0x0];
	s9 =	sshrl.u32 s8, $0x1  }
0x5: {  	s0 =	stileid.u32;
	s5 =	rddreg [dreg:$0x1];
	s31 =	ssub.s32 s8, s9  }
0x6: {  	s2 =	simm.s32 $0x0;
	p0 =	por $0x0, $0x0;
	s9 =	smax.u32 s31, $0x1  }
0x7: {  	s6 =	sshll.u32 s0, $0xA;
	s7 =	sshll.u32 s4, $0x9;
	p1 =	sne.s32 s9, $0x1  }
.Ltmp0:
0x8: {  	[smem:$0x7FF] =	sst s2;
	s6 =	sor.u32 s7, s6;
	(pc) =	sbr.rel @!p1 .LBB2_3-.Ltmp0, $4  }
0x9: {  	s1 =	rddreg [dreg:$0x2];
	_ =	strace $0x80000047;
	s7 =	sshrl.u32 s6, $0x3  }
0xa: {  	s4 =	sadd.s32 $0x200, s3;
	s6 =	sshll.u32 s6, $0x4;
	s7 =	sadd.s32 s7, s3  }
0xb: {  	s5 =	sadd.s32 s5, s6;
	s3 =	simm.s32 $0x2;
	s6 =	simm.s32 $0x200  }
0xc: {  	s8 =	sadd.s32 $0x4200, s7;
	s7 =	simm.s32 $0x1;
	s9 =	sadd.s32 $0xFFFFFFFF, s9  }
0xd: {  	[tilespmem:s2], [sflag:$0x2] =	stream.linear.gather [hbm4b:s8+s2], $0x200, $0x38;
	[tilespmem:$0x10200] =	vst v63  }
0xe: {  	_ =	swait.ge [sflag:s3], $0x200  }
0xf: {  	[sflag:s3] =	ssyncset.done $0x0  }
0x10: {  	[sflag:s3] =	ssyncadd.s32 $0xFFFFFE00  }
0x11: {  	v0 =	vld [tilespmem:$0x150]  }
0x12: {  	v1 =	vld [tilespmem:$0x120]  }
0x13: {  	v2 =	vld [tilespmem:$0xA0]  }
0x14: {  	v3 =	vld [tilespmem:$0x100]  }
0x15: {  	v4 =	vld [tilespmem:$0x140]  }
0x16: {  	v5 =	vld [tilespmem:$0x160]  }
0x17: {  	v6 =	vld [tilespmem:$0x130]  }
0x18: {  	v7 =	vld [tilespmem:$0x170]  }
0x19: {  	v8 =	vld [tilespmem:$0x190];
	vm0 =	vgt.s32 v2, $0x0;
	vm1 =	vgt.s32 v1, $0x0  }
0x1a: {  	v10 =	vld [tilespmem:$0x1A0];
	v2 =	vnsel vm0, $0x0, v2;
	vm0 =	vgt.s32 v3, $0x0;
	v1 =	vnsel vm1, $0x0, v1  }
0x1b: {  	v11 =	vld [tilespmem:$0x1B0];
	vm1 =	vgt.s32 v5, $0x0;
	v3 =	vnsel vm0, $0x0, v3;
	vm0 =	vgt.s32 v0, $0x0  }
0x1c: {  	v12 =	vld [tilespmem:$0x40];
	v2 =	vmin.u32 v2, $0x3FF;
	v1 =	vmin.u32 v1, $0x3FF;
	v0 =	vnsel vm0, $0x0, v0  }
0x1d: {  	v13 =	vld [tilespmem:$0xC0];
	v3 =	vmin.u32 v3, $0x3FF;
	[tilespmem:$0xA0] =	vst v2;
	vm0 =	vgt.s32 v4, $0x0;
	v14 =	vmin.u32 v0, $0x3FF  }
0x1e: {  	v2 =	vld [tilespmem:$0x180];
	[tilespmem:$0x100] =	vst v3;
	v0 =	vnsel vm0, $0x0, v4;
	v3 =	vnsel vm1, $0x0, v5;
	vm0 =	vgt.s32 v7, $0x0  }
0x1f: {  	[tilespmem:$0x120] =	vst v1;
	v1 =	vld [tilespmem:$0x1C0];
	vm1 =	vgt.s32 v8, $0x0;
	v0 =	vmin.u32 v0, $0x3FF;
	v4 =	vmin.u32 v3, $0x3FF  }
0x20: {  	v5 =	vnsel vm0, $0x0, v7;
	v3 =	vld [tilespmem:$0x30];
	vm0 =	vgt.s32 v6, $0x0;
	v7 =	vnsel vm1, $0x0, v8;
	[tilespmem:$0x150] =	vst v14  }
0x21: {  	p1 =	sne.s32 s9, $0x1;
	vm1 =	vgt.s32 v11, $0x0;
	v8 =	vld [tilespmem:$0x60];
	[tilespmem:$0x160] =	vst v4;
	v4 =	vmin.u32 v5, $0x3FF;
	v6 =	vnsel vm0, $0x0, v6  }
.Ltmp1:
0x22: {  	v5 =	vld [tilespmem:$0xB0];
	vm0 =	vgt.s32 v10, $0x0;
	v9 =	vmin.u32 v6, $0x3FF;
	[tilespmem:$0x170] =	vst v4;
	v4 =	vmin.u32 v7, $0x3FF;
	(pc) =	sbr.rel @!p1 .LBB2_3-.Ltmp1, $4  }
0x23: {  	[tilespmem:$0x140] =	vst v0;
	v0 =	vld [tilespmem:$0x0];
	v6 =	vnsel vm0, $0x0, v10;
	vm0 =	vgt.s32 v12, $0x0;
	v10 =	vnsel vm1, $0x0, v11  }
0x24: {  	v7 =	vld [tilespmem:$0x1D0];
	[tilespmem:$0x190] =	vst v4;
	v4 =	vmin.u32 v6, $0x3FF;
	v6 =	vnsel vm0, $0x0, v12;
	vm0 =	vgt.s32 v13, $0x0  }
0x25: {  	v10 =	vmin.u32 v10, $0x3FF;
	[tilespmem:$0x1A0] =	vst v4;
	v6 =	vmin.u32 v6, $0x3FF;
	v4 =	vld [tilespmem:$0x90];
	v11 =	vnsel vm0, $0x0, v13  }
0x26: {  	s9 =	sadd.s32 $0xFFFFFFFF, s9;
	p0 =	por $0x1, $0x1;
	vm1 =	vgt.s32 v2, $0x0;
	vm0 =	vgt.s32 v1, $0x0;
	[tilespmem:$0x40] =	vst v6;
	v11 =	vmin.u32 v11, $0x3FF;
	v6 =	vld [tilespmem:$0x1E0]  }
.LBB2_2:
0x27: {  	p1 =	sne.s32 s9, $0x1;
	s9 =	sadd.s32 $0xFFFFFFFF, s9;
	vm2 =	vgt.s32 v3, $0x0;
	v12 =	vld [tilespmem:$0x50];
	vm3 =	vgt.s32 v5, $0x0;
	[tilespmem:$0xC0] =	vst v11  }
0x28: {  	v2 =	vnsel vm1, $0x0, v2;
	v11 =	vld [tilespmem:$0x20];
	v3 =	vnsel vm2, $0x0, v3;
	v5 =	vnsel vm3, $0x0, v5;
	[tilespmem:$0x1B0] =	vst v10  }
0x29: {  	v1 =	vnsel vm0, $0x0, v1;
	v2 =	vmin.u32 v2, $0x3FF;
	v10 =	vld [tilespmem:$0x10];
	v3 =	vmin.u32 v3, $0x3FF;
	[tilespmem:$0x130] =	vst v9  }
0x2a: {  	v1 =	vmin.u32 v1, $0x3FF;
	vm0 =	vgt.s32 v7, $0x0;
	v5 =	vmin.u32 v5, $0x3FF;
	[tilespmem:$0x30] =	vst v3;
	v3 =	vld [tilespmem:$0x70]  }
0x2b: {  	vm1 =	vgt.s32 v0, $0x0;
	vm2 =	vgt.s32 v8, $0x0;
	v9 =	vld [tilespmem:$0x80];
	[tilespmem:$0xB0] =	vst v5;
	v5 =	vnsel vm0, $0x0, v7  }
0x2c: {  	v0 =	vnsel vm1, $0x0, v0;
	v7 =	vnsel vm2, $0x0, v8;
	[tilespmem:$0x180] =	vst v2;
	v2 =	vmin.u32 v5, $0x3FF;
	v5 =	vld [tilespmem:$0x1F0]  }
0x2d: {  	v0 =	vmin.u32 v0, $0x3FF;
	vm0 =	vgt.s32 v4, $0x0;
	v7 =	vmin.u32 v7, $0x3FF;
	v8 =	vld [tilespmem:$0xF0];
	[tilespmem:$0x1D0] =	vst v2  }
0x2e: {  	vm1 =	vgt.s32 v12, $0x0;
	v2 =	vnsel vm0, $0x0, v4;
	vm0 =	vgt.s32 v6, $0x0;
	[tilespmem:$0x60] =	vst v7;
	v4 =	vld [tilespmem:$0xE0]  }
0x2f: {  	v7 =	vnsel vm1, $0x0, v12;
	v2 =	vmin.u32 v2, $0x3FF;
	v12 =	vld [tilespmem:$0x110];
	[tilespmem:$0x1C0] =	vst v1;
	v1 =	vnsel vm0, $0x0, v6  }
0x30: {  	vm0 =	vgt.s32 v11, $0x0;
	v6 =	vmin.u32 v7, $0x3FF;
	[tilespmem:$0x90] =	vst v2;
	v2 =	vld [tilespmem:$0xD0];
	v1 =	vmin.u32 v1, $0x3FF  }
0x31: {  	vm1 =	vgt.s32 v10, $0x0;
	v7 =	vnsel vm0, $0x0, v11;
	vm0 =	vgt.s32 v3, $0x0;
	[tilespmem:$0x50] =	vst v6  }
0x32: {  	v6 =	vnsel vm1, $0x0, v10;
	v7 =	vmin.u32 v7, $0x3FF;
	v3 =	vnsel vm0, $0x0, v3;
	[tilespmem:$0x1E0] =	vst v1  }
0x33: {  	vm0 =	vgt.s32 v9, $0x0;
	v1 =	vmin.u32 v6, $0x3FF;
	v3 =	vmin.u32 v3, $0x3FF;
	[tilespmem:$0x20] =	vst v7  }
0x34: {  	vm1 =	vgt.s32 v5, $0x0;
	[tilespmem:$0x70] =	vst v3;
	v3 =	vnsel vm0, $0x0, v9;
	vm0 =	vgt.s32 v8, $0x0  }
0x35: {  	v5 =	vnsel vm1, $0x0, v5;
	[tilespmem:$0x10] =	vst v1;
	v1 =	vmin.u32 v3, $0x3FF;
	v3 =	vnsel vm0, $0x0, v8  }
0x36: {  	vm0 =	vgt.s32 v4, $0x0;
	[tilespmem:$0x80] =	vst v1;
	v1 =	vmin.u32 v3, $0x3FF;
	v3 =	vmin.u32 v5, $0x3FF  }
0x37: {  	vm1 =	vgt.s32 v2, $0x0;
	v4 =	vnsel vm0, $0x0, v4;
	vm0 =	vgt.s32 v12, $0x0;
	[tilespmem:$0xF0] =	vst v1  }
0x38: {  	v1 =	vnsel vm1, $0x0, v2;
	v2 =	vmin.u32 v4, $0x3FF;
	v4 =	vnsel vm0, $0x0, v12;
	[tilespmem:$0x1F0] =	vst v3  }
0x39: {  	v1 =	vmin.u32 v1, $0x3FF;
	[tilespmem:$0xE0] =	vst v2;
	v2 =	vmin.u32 v4, $0x3FF  }
0x3a: {  	[tilespmem:$0xD0] =	vst v1  }
0x3b: {  	[tilespmem:$0x110] =	vst v2  }
0x3c: {  	[tilespmem:$0x0] =	vst v0  }
0x3d: {  	[tilespmem:s6], [sflag:$0x1] =	stream.indirect.gather [hbm4b:s4+s6], $0x80, s2, s6, $0xb8;
	[tilespmem:$0x10200] =	vst v63  }
0x3e: {  	_ =	swait.ge [sflag:s7], $0x10000  }
0x3f: {  	[sflag:s7] =	ssyncset.done $0x0  }
0x40: {  	[sflag:s7] =	ssyncadd.s32 $0xFFFF0000  }
0x41: {  	[hbm4b:s5+s2] =	stream.linear.scatter [tilespmem:s6], [sflag:$0x2], $0x10000, $0x38;
	[tilespmem:$0x10200] =	vst v63  }
0x42: {  	_ =	swait.ge [sflag:s3], $0x10000  }
0x43: {  	[sflag:s3] =	ssyncset.done $0x0  }
0x44: {  	[sflag:s3] =	ssyncadd.s32 $0xFFFF0000  }
0x45: {  	[tilespmem:s2], [sflag:$0x2] =	stream.linear.gather [hbm4b:s8+s2], $0x200, $0x38;
	[tilespmem:$0x10200] =	vst v63  }
0x46: {  	_ =	swait.ge [sflag:s3], $0x200  }
0x47: {  	[sflag:s3] =	ssyncset.done $0x0  }
0x48: {  	[sflag:s3] =	ssyncadd.s32 $0xFFFFFE00  }
0x49: {  	v0 =	vld [tilespmem:$0x150]  }
0x4a: {  	v1 =	vld [tilespmem:$0x120]  }
0x4b: {  	v2 =	vld [tilespmem:$0xA0]  }
0x4c: {  	v3 =	vld [tilespmem:$0x100]  }
0x4d: {  	v4 =	vld [tilespmem:$0x140]  }
0x4e: {  	v6 =	vld [tilespmem:$0x130]  }
0x4f: {  	v5 =	vld [tilespmem:$0x160]  }
0x50: {  	vm0 =	vgt.s32 v2, $0x0;
	v7 =	vld [tilespmem:$0x170]  }
0x51: {  	vm1 =	vgt.s32 v1, $0x0;
	v2 =	vnsel vm0, $0x0, v2;
	vm0 =	vgt.s32 v3, $0x0;
	v8 =	vld [tilespmem:$0x190]  }
0x52: {  	v1 =	vnsel vm1, $0x0, v1;
	v2 =	vmin.u32 v2, $0x3FF;
	v3 =	vnsel vm0, $0x0, v3;
	v10 =	vld [tilespmem:$0x1A0]  }
0x53: {  	vm0 =	vgt.s32 v0, $0x0;
	[tilespmem:$0xA0] =	vst v2;
	v2 =	vmin.u32 v3, $0x3FF;
	v11 =	vld [tilespmem:$0x1B0]  }
0x54: {  	v1 =	vmin.u32 v1, $0x3FF;
	v0 =	vnsel vm0, $0x0, v0;
	v12 =	vld [tilespmem:$0x40]  }
0x55: {  	vm0 =	vgt.s32 v4, $0x0;
	v14 =	vmin.u32 v0, $0x3FF;
	vm1 =	vgt.s32 v5, $0x0;
	v13 =	vld [tilespmem:$0xC0];
	[tilespmem:$0x100] =	vst v2  }
0x56: {  	v0 =	vnsel vm0, $0x0, v4;
	vm0 =	vgt.s32 v7, $0x0;
	[tilespmem:$0x120] =	vst v1;
	v1 =	vnsel vm1, $0x0, v5;
	v2 =	vld [tilespmem:$0x180]  }
0x57: {  	v0 =	vmin.u32 v0, $0x3FF;
	v5 =	vnsel vm0, $0x0, v7;
	v4 =	vmin.u32 v1, $0x3FF;
	v1 =	vld [tilespmem:$0x1C0]  }
0x58: {  	vm0 =	vgt.s32 v6, $0x0;
	vm1 =	vgt.s32 v8, $0x0;
	v3 =	vld [tilespmem:$0x30];
	[tilespmem:$0x160] =	vst v4;
	v4 =	vmin.u32 v5, $0x3FF  }
0x59: {  	v6 =	vnsel vm0, $0x0, v6;
	v7 =	vnsel vm1, $0x0, v8;
	vm0 =	vgt.s32 v10, $0x0;
	v5 =	vld [tilespmem:$0xB0];
	[tilespmem:$0x140] =	vst v0  }
.Ltmp2:
0x5a: {  	v9 =	vmin.u32 v6, $0x3FF;
	v6 =	vnsel vm0, $0x0, v10;
	v0 =	vld [tilespmem:$0x0];
	[tilespmem:$0x170] =	vst v4;
	v4 =	vmin.u32 v7, $0x3FF;
	(pc) =	sbr.rel @p1 .LBB2_2-.Ltmp2, $4  }
0x5b: {  	vm1 =	vgt.s32 v11, $0x0;
	vm0 =	vgt.s32 v12, $0x0;
	[tilespmem:$0x190] =	vst v4;
	v4 =	vmin.u32 v6, $0x3FF;
	v7 =	vld [tilespmem:$0x1D0]  }
0x5c: {  	v10 =	vnsel vm1, $0x0, v11;
	v6 =	vnsel vm0, $0x0, v12;
	vm0 =	vgt.s32 v13, $0x0;
	v8 =	vld [tilespmem:$0x60];
	[tilespmem:$0x1A0] =	vst v4  }
0x5d: {  	v10 =	vmin.u32 v10, $0x3FF;
	v6 =	vmin.u32 v6, $0x3FF;
	v11 =	vnsel vm0, $0x0, v13;
	v4 =	vld [tilespmem:$0x90];
	[tilespmem:$0x150] =	vst v14  }
0x5e: {  	vm1 =	vgt.s32 v2, $0x0;
	vm0 =	vgt.s32 v1, $0x0;
	v11 =	vmin.u32 v11, $0x3FF;
	[tilespmem:$0x40] =	vst v6;
	v6 =	vld [tilespmem:$0x1E0]  }
.LBB2_3:
0x5f: {  	[tilespmem:$0xC0] =	vst @p0 v11  }
0x60: {  	vm2 =	vgt.s32 @p0 v3, $0x0;
	[tilespmem:$0x1B0] =	vst @p0 v10;
	v2 =	vnsel @p0 vm1, $0x0, v2  }
0x61: {  	vm3 =	vgt.s32 @p0 v5, $0x0;
	[tilespmem:$0x130] =	vst @p0 v9;
	v3 =	vnsel @p0 vm2, $0x0, v3;
	v2 =	vmin.u32 @p0 v2, $0x3FF  }
0x62: {  	v10 =	vld @p0 [tilespmem:$0x50];
	v5 =	vnsel @p0 vm3, $0x0, v5;
	v3 =	vmin.u32 @p0 v3, $0x3FF;
	[tilespmem:$0x180] =	vst @p0 v2  }
0x63: {  	v1 =	vnsel @p0 vm0, $0x0, v1;
	vm1 =	vgt.s32 @p0 v7, $0x0;
	[tilespmem:$0x30] =	vst @p0 v3;
	v3 =	vmin.u32 @p0 v5, $0x3FF;
	v5 =	vld @p0 [tilespmem:$0x20]  }
0x64: {  	v1 =	vmin.u32 @p0 v1, $0x3FF;
	vm2 =	vgt.s32 @p0 v8, $0x0;
	[tilespmem:$0xB0] =	vst @p0 v3;
	v3 =	vnsel @p0 vm1, $0x0, v7;
	v7 =	vld @p0 [tilespmem:$0x70]  }
0x65: {  	[tilespmem:$0x1C0] =	vst @p0 v1;
	v8 =	vnsel @p0 vm2, $0x0, v8;
	vm0 =	vgt.s32 @p0 v4, $0x0;
	v2 =	vmin.u32 @p0 v3, $0x3FF;
	v3 =	vld @p0 [tilespmem:$0x10]  }
0x66: {  	v8 =	vmin.u32 @p0 v8, $0x3FF;
	v4 =	vnsel @p0 vm0, $0x0, v4;
	vm0 =	vgt.s32 @p0 v6, $0x0;
	[tilespmem:$0x1D0] =	vst @p0 v2;
	v2 =	vld @p0 [tilespmem:$0x80]  }
0x67: {  	v1 =	vld @p0 [tilespmem:$0x1F0];
	vm1 =	vgt.s32 @p0 v10, $0x0;
	[tilespmem:$0x60] =	vst @p0 v8;
	v4 =	vmin.u32 @p0 v4, $0x3FF;
	v6 =	vnsel @p0 vm0, $0x0, v6  }
0x68: {  	v8 =	vld @p0 [tilespmem:$0xF0];
	v9 =	vnsel @p0 vm1, $0x0, v10;
	[tilespmem:$0x90] =	vst @p0 v4;
	v6 =	vmin.u32 @p0 v6, $0x3FF;
	vm0 =	vgt.s32 @p0 v5, $0x0  }
0x69: {  	v4 =	vld @p0 [tilespmem:$0xE0];
	v9 =	vmin.u32 @p0 v9, $0x3FF;
	[tilespmem:$0x1E0] =	vst @p0 v6;
	v5 =	vnsel @p0 vm0, $0x0, v5;
	vm0 =	vgt.s32 @p0 v7, $0x0  }
0x6a: {  	[tilespmem:$0x50] =	vst @p0 v9;
	v9 =	vld @p0 [tilespmem:$0xD0];
	vm1 =	vgt.s32 @p0 v3, $0x0;
	v5 =	vmin.u32 @p0 v5, $0x3FF;
	v7 =	vnsel @p0 vm0, $0x0, v7  }
0x6b: {  	v6 =	vld @p0 [tilespmem:$0x110];
	v3 =	vnsel @p0 vm1, $0x0, v3;
	[tilespmem:$0x20] =	vst @p0 v5;
	v5 =	vmin.u32 @p0 v7, $0x3FF;
	vm0 =	vgt.s32 @p0 v2, $0x0  }
0x6c: {  	vm1 =	vgt.s32 @p0 v1, $0x0;
	v3 =	vmin.u32 @p0 v3, $0x3FF;
	[tilespmem:$0x70] =	vst @p0 v5;
	v2 =	vnsel @p0 vm0, $0x0, v2  }
0x6d: {  	vm0 =	vgt.s32 @p0 v8, $0x0;
	v1 =	vnsel @p0 vm1, $0x0, v1;
	[tilespmem:$0x10] =	vst @p0 v3;
	v2 =	vmin.u32 @p0 v2, $0x3FF  }
0x6e: {  	v3 =	vnsel @p0 vm0, $0x0, v8;
	vm0 =	vgt.s32 @p0 v4, $0x0;
	v1 =	vmin.u32 @p0 v1, $0x3FF;
	[tilespmem:$0x80] =	vst @p0 v2  }
0x6f: {  	vm1 =	vgt.s32 @p0 v9, $0x0;
	v2 =	vmin.u32 @p0 v3, $0x3FF;
	v3 =	vnsel @p0 vm0, $0x0, v4;
	[tilespmem:$0x1F0] =	vst @p0 v1  }
0x70: {  	vm0 =	vgt.s32 @p0 v6, $0x0;
	[tilespmem:$0xF0] =	vst @p0 v2;
	v2 =	vnsel @p0 vm1, $0x0, v9;
	v3 =	vmin.u32 @p0 v3, $0x3FF  }
0x71: {  	vm1 =	vgt.s32 @p0 v0, $0x0;
	v1 =	vnsel @p0 vm0, $0x0, v6;
	v2 =	vmin.u32 @p0 v2, $0x3FF;
	[tilespmem:$0xE0] =	vst @p0 v3  }
0x72: {  	v0 =	vnsel @p0 vm1, $0x0, v0;
	v1 =	vmin.u32 @p0 v1, $0x3FF;
	[tilespmem:$0xD0] =	vst @p0 v2  }
0x73: {  	v0 =	vmin.u32 @p0 v0, $0x3FF;
	[tilespmem:$0x110] =	vst @p0 v1  }
0x74: {  	[tilespmem:$0x0] =	vst @p0 v0  }
0x75: {  	[tilespmem:s6], [sflag:$0x1] =	stream.indirect.gather @p0 [hbm4b:s4+s6], $0x80, s2, s6, $0xb8;
	[tilespmem:$0x10200] =	vst v63  }
0x76: {  	_ =	swait.ge @p0 [sflag:s7], $0x10000  }
0x77: {  	[sflag:s7] =	ssyncset.done @p0 $0x0  }
0x78: {  	[sflag:s7] =	ssyncadd.s32 @p0 $0xFFFF0000  }
0x79: {  	[hbm4b:s5+s2] =	stream.linear.scatter @p0 [tilespmem:s6], [sflag:$0x2], $0x10000, $0x38;
	[tilespmem:$0x10200] =	vst v63  }
0x7a: {  	_ =	swait.ge @p0 [sflag:s3], $0x10000  }
0x7b: {  	[sflag:s3] =	ssyncset.done @p0 $0x0  }
0x7c: {  	[sflag:s3] =	ssyncadd.s32 @p0 $0xFFFF0000  }
0x7d: {  	[tilespmem:s2], [sflag:$0x2] =	stream.linear.gather [hbm4b:s8+s2], $0x200, $0x38;
	[tilespmem:$0x10200] =	vst v63  }
0x7e: {  	_ =	swait.ge [sflag:s3], $0x200  }
0x7f: {  	[sflag:s3] =	ssyncset.done $0x0  }
0x80: {  	[sflag:s3] =	ssyncadd.s32 $0xFFFFFE00  }
0x81: {  	v17 =	vld [tilespmem:$0xA0]  }
0x82: {  	v18 =	vld [tilespmem:$0x100]  }
0x83: {  	v19 =	vld [tilespmem:$0x120]  }
0x84: {  	v20 =	vld [tilespmem:$0x160]  }
0x85: {  	v21 =	vld [tilespmem:$0x140]  }
0x86: {  	v22 =	vld [tilespmem:$0x170]  }
0x87: {  	v24 =	vld [tilespmem:$0x1A0]  }
0x88: {  	v25 =	vld [tilespmem:$0x150];
	vm8 =	vgt.s32 v17, $0x0;
	vm9 =	vgt.s32 v18, $0x0  }
0x89: {  	v29 =	vld [tilespmem:$0xC0];
	vm10 =	vgt.s32 v19, $0x0;
	vm11 =	vgt.s32 v20, $0x0;
	v0 =	vnsel vm8, $0x0, v17  }
0x8a: {  	v31 =	vld [tilespmem:$0x1B0];
	vm12 =	vgt.s32 v21, $0x0;
	v1 =	vnsel vm9, $0x0, v18;
	v0 =	vmin.u32 v0, $0x3FF  }
0x8b: {  	v23 =	vld [tilespmem:$0x190];
	vm13 =	vgt.s32 v22, $0x0;
	v2 =	vnsel vm10, $0x0, v19;
	v26 =	vmin.u32 v1, $0x3FF;
	[tilespmem:$0xA0] =	vst v0  }
0x8c: {  	v27 =	vld [tilespmem:$0x40];
	vm15 =	vgt.s32 v24, $0x0;
	v5 =	vnsel vm13, $0x0, v22;
	v2 =	vmin.u32 v2, $0x3FF;
	[tilespmem:$0x100] =	vst v26  }
0x8d: {  	vm4 =	vgt.s32 v25, $0x0;
	v35 =	vnsel vm15, $0x0, v24;
	v5 =	vmin.u32 v5, $0x3FF;
	[tilespmem:$0x120] =	vst v2  }
0x8e: {  	v34 =	vld [tilespmem:$0x30];
	vm6 =	vgt.s32 v29, $0x0;
	v36 =	vnsel vm4, $0x0, v25;
	v38 =	vmin.u32 v35, $0x3FF;
	[tilespmem:$0x170] =	vst v5  }
0x8f: {  	v37 =	vld [tilespmem:$0xB0];
	vm7 =	vgt.s32 v31, $0x0;
	v3 =	vnsel vm6, $0x0, v29;
	v39 =	vmin.u32 v36, $0x3FF;
	[tilespmem:$0x1A0] =	vst v38  }
0x90: {  	v40 =	vld [tilespmem:$0x180];
	vm14 =	vgt.s32 v23, $0x0;
	v4 =	vnsel vm7, $0x0, v31;
	v43 =	vmin.u32 v3, $0x3FF;
	[tilespmem:$0x150] =	vst v39  }
0x91: {  	v44 =	vld [tilespmem:$0x1C0];
	vm5 =	vgt.s32 v27, $0x0;
	v28 =	vnsel vm11, $0x0, v20;
	v4 =	vmin.u32 v4, $0x3FF;
	[tilespmem:$0xC0] =	vst v43  }
0x92: {  	v30 =	vnsel vm12, $0x0, v21;
	v33 =	vnsel vm14, $0x0, v23;
	v0 =	vmin.u32 v28, $0x3FF;
	[tilespmem:$0x1B0] =	vst v4  }
0x93: {  	v42 =	vld [tilespmem:$0x60];
	vm9 =	vgt.s32 v34, $0x0;
	v1 =	vnsel vm5, $0x0, v27;
	v2 =	vmin.u32 v30, $0x3FF;
	[tilespmem:$0x160] =	vst v0  }
0x94: {  	v46 =	vld [tilespmem:$0x50];
	vm10 =	vgt.s32 v37, $0x0;
	v6 =	vnsel vm9, $0x0, v34;
	v1 =	vmin.u32 v1, $0x3FF;
	[tilespmem:$0x140] =	vst v2  }
0x95: {  	v49 =	vld [tilespmem:$0x20];
	vm11 =	vgt.s32 v40, $0x0;
	v8 =	vnsel vm10, $0x0, v37;
	v6 =	vmin.u32 v6, $0x3FF;
	[tilespmem:$0x40] =	vst v1  }
0x96: {  	v53 =	vld [tilespmem:$0x80];
	vm14 =	vgt.s32 v44, $0x0;
	v7 =	vnsel vm11, $0x0, v40;
	v48 =	vmin.u32 v8, $0x3FF;
	[tilespmem:$0x30] =	vst v6  }
0x97: {  	v32 =	vld [tilespmem:$0x130];
	v3 =	vnsel vm14, $0x0, v44;
	v7 =	vmin.u32 v7, $0x3FF;
	[tilespmem:$0xB0] =	vst v48  }
0x98: {  	v45 =	vld [tilespmem:$0x90];
	vm13 =	vgt.s32 v42, $0x0;
	v52 =	vmin.u32 v3, $0x3FF;
	[tilespmem:$0x180] =	vst v7  }
0x99: {  	v50 =	vld [tilespmem:$0x70];
	vm4 =	vgt.s32 v46, $0x0;
	v5 =	vnsel vm13, $0x0, v42;
	v2 =	vmin.u32 v33, $0x3FF;
	[tilespmem:$0x1C0] =	vst v52  }
0x9a: {  	v57 =	vld [tilespmem:$0xD0];
	vm6 =	vgt.s32 v49, $0x0;
	v4 =	vnsel vm4, $0x0, v46;
	v5 =	vmin.u32 v5, $0x3FF;
	[tilespmem:$0x190] =	vst v2  }
0x9b: {  	v41 =	vld [tilespmem:$0x1D0];
	vm9 =	vgt.s32 v53, $0x0;
	v8 =	vnsel vm6, $0x0, v49;
	v4 =	vmin.u32 v4, $0x3FF;
	[tilespmem:$0x60] =	vst v5  }
0x9c: {  	v51 =	vld [tilespmem:$0x10];
	vm8 =	vgt.s32 v32, $0x0;
	v3 =	vnsel vm9, $0x0, v53;
	v8 =	vmin.u32 v8, $0x3FF;
	[tilespmem:$0x50] =	vst v4  }
0x9d: {  	v54 =	vld [tilespmem:$0xF0];
	vm15 =	vgt.s32 v45, $0x0;
	v0 =	vnsel vm8, $0x0, v32;
	v3 =	vmin.u32 v3, $0x3FF;
	[tilespmem:$0x20] =	vst v8  }
0x9e: {  	v47 =	vld [tilespmem:$0x1E0];
	vm7 =	vgt.s32 v50, $0x0;
	v1 =	vnsel vm15, $0x0, v45;
	v0 =	vmin.u32 v0, $0x3FF;
	[tilespmem:$0x80] =	vst v3  }
0x9f: {  	v56 =	vld [tilespmem:$0xE0];
	vm13 =	vgt.s32 v57, $0x0;
	v6 =	vnsel vm7, $0x0, v50;
	v1 =	vmin.u32 v1, $0x3FF;
	[tilespmem:$0x130] =	vst v0  }
0xa0: {  	v55 =	vld [tilespmem:$0x1F0];
	vm12 =	vgt.s32 v41, $0x0;
	v61 =	vnsel vm13, $0x0, v57;
	v6 =	vmin.u32 v6, $0x3FF;
	[tilespmem:$0x90] =	vst v1  }
0xa1: {  	v59 =	vld [tilespmem:$0x0];
	vm8 =	vgt.s32 v51, $0x0;
	v2 =	vnsel vm12, $0x0, v41;
	v62 =	vmin.u32 v61, $0x3FF;
	[tilespmem:$0x70] =	vst v6  }
0xa2: {  	v58 =	vld [tilespmem:$0x110];
	vm10 =	vgt.s32 v54, $0x0;
	v7 =	vnsel vm8, $0x0, v51;
	v2 =	vmin.u32 v2, $0x3FF;
	[tilespmem:$0xD0] =	vst v62  }
0xa3: {  	vm5 =	vgt.s32 v47, $0x0;
	v5 =	vnsel vm10, $0x0, v54;
	v7 =	vmin.u32 v7, $0x3FF;
	[tilespmem:$0x1D0] =	vst v2  }
0xa4: {  	vm12 =	vgt.s32 v56, $0x0;
	v0 =	vnsel vm5, $0x0, v47;
	v60 =	vmin.u32 v5, $0x3FF;
	[tilespmem:$0x10] =	vst v7  }
0xa5: {  	vm11 =	vgt.s32 v55, $0x0;
	v1 =	vnsel vm12, $0x0, v56;
	v0 =	vmin.u32 v0, $0x3FF;
	[tilespmem:$0xF0] =	vst v60  }
0xa6: {  	vm15 =	vgt.s32 v59, $0x0;
	v2 =	vnsel vm11, $0x0, v55;
	v1 =	vmin.u32 v1, $0x3FF;
	[tilespmem:$0x1E0] =	vst v0  }
0xa7: {  	vm14 =	vgt.s32 v58, $0x0;
	v63 =	vnsel vm15, $0x0, v59;
	v2 =	vmin.u32 v2, $0x3FF;
	[tilespmem:$0xE0] =	vst v1  }
0xa8: {  	v0 =	vnsel vm14, $0x0, v58;
	v1 =	vmin.u32 v63, $0x3FF;
	[tilespmem:$0x1F0] =	vst v2  }
0xa9: {  	v0 =	vmin.u32 v0, $0x3FF;
	[tilespmem:$0x0] =	vst v1  }
0xaa: {  	[tilespmem:$0x110] =	vst v0  }
0xab: {  	[tilespmem:s6], [sflag:$0x1] =	stream.indirect.gather [hbm4b:s4+s6], $0x80, s2, s6, $0xb8;
	[tilespmem:$0x10200] =	vst v63  }
0xac: {  	_ =	swait.ge [sflag:s7], $0x10000  }
0xad: {  	[sflag:s7] =	ssyncset.done $0x0  }
0xae: {  	[sflag:s7] =	ssyncadd.s32 $0xFFFF0000  }
0xaf: {  	[hbm4b:s5+s2] =	stream.linear.scatter [tilespmem:s6], [sflag:$0x2], $0x10000, $0x38;
	[tilespmem:$0x10200] =	vst v63  }
0xb0: {  	_ =	swait.ge [sflag:s3], $0x10000  }
0xb1: {  	[sflag:s3] =	ssyncset.done $0x0  }
0xb2: {  	[sflag:s3] =	ssyncadd.s32 $0xFFFF0000  }
0xb3: {  	_ =	sfence.sel $0x180000  }
0xb4: {  	[bflag:$0x0] =	sbarrier.arrive $0xFFFF  }
0xb5: {  	p0 =	sne.s32 s0, $0x0;
	_ =	strace $0x90000047  }
0xb6: {  	s0 =	sadd.s32 @!p0 $0x100000, s1;
	[bflag:$0x2] =	sbarrier.arrive $0xFFFF  }
0xb7: {  	[sflag:s0] =	ssyncadd.tile.s32 @!p0 $0x1;
	_ =	shalt  }
.Lfunc_end2:
_tile_overlayer_lowered:
.L_overlay_start_2:
0xb8: {  	(tag) =	ssettag $0x2  }
0xb9: {  	s0 =	rddreg [dreg:$0x0];
	s2 =	stileid.u32  }
0xba: {  	s1 =	rddreg [dreg:$0x1];
	p0 =	sne.s32 s2, $0x0  }
0xbb: {  	s3 =	rddreg [dreg:$0x2];
	[bflag:$0x3] =	sbarrier.arrive $0xFFFF;
	s2 =	simm.s32 @!p0 $0x1C02  }
0xbc: {  	[timem:s3], [sflag:s2] =	dma.local @!p0 [hbm:s0], s1  }
0xbd: {  	s0 =	simm.s32 @!p0 $0x2  }
0xbe: {  	_ =	swait.ge @!p0 [sflag:s0], s1  }
0xbf: {  	s1 =	ssub.s32 @!p0 $0x0, s1;
	[sflag:s0] =	ssyncset.done @!p0 $0x0  }
0xc0: {  	[sflag:s0] =	ssyncadd.s32 @!p0 s1  }
0xc1: {  	[bflag:$0x3] =	sbarrier.arrive $0xFFFF  }
0xc2: {  	_ =	shalt  }

</sc_bundles>
